<compile_context>
chip_gen: v7x
topology: tpu7x:2x2x1
jax: 0.10.2.dev20260603
libtpu: 0.0.44.dev20260713+nightly
codegen_flags: <defaults>
</compile_context>

<pallas_src>
import functools

import jax
import jax.numpy as jnp
from jax import lax
from jax.experimental import pallas as pl
from jax.experimental.pallas import tpu as pltpu
from jax.experimental.pallas import tpu_sc as plsc

N = 10000
E = 320000
D = 128

NPAD = 10240
SLICE = NPAD // 16
CHUNK = 128
NW = 32
CPW = 80
EPW = CPW * CHUNK
EPAD = NW * EPW
IB = 8
NB = CPW // IB

_mesh = plsc.VectorSubcoreMesh(core_axis_name="c", subcore_axis_name="s")


@functools.partial(
    pl.kernel,
    mesh=_mesh,
    out_type=jax.ShapeDtypeStruct((2, NPAD), jnp.float32),
    scratch_types=[
        pltpu.VMEM((EPW,), jnp.int32),
        pltpu.VMEM((CHUNK,), jnp.float32),
        pltpu.VMEM_SHARED((NPAD,), jnp.float32),
        pltpu.SemaphoreType.DMA,
    ],
)
def _sc_degree(rows_hbm, zeros1_hbm, deg_out, rid_v, ones_v, deg_sh, sem):
    c = lax.axis_index("c")
    s = lax.axis_index("s")
    wid = s * 2 + c
    pltpu.sync_copy(rows_hbm.at[pl.ds(wid * EPW, EPW)], rid_v)
    for i in range(CHUNK // 16):
        ones_v[pl.ds(i * 16, 16)] = jnp.ones((16,), jnp.float32)
    pltpu.sync_copy(zeros1_hbm.at[pl.ds(s * SLICE, SLICE)],
                    deg_sh.at[pl.ds(s * SLICE, SLICE)])
    plsc.subcore_barrier()

    def body(j, carry):
        idx = rid_v.at[pl.ds(j * CHUNK, CHUNK)]
        pltpu.async_copy(ones_v, deg_sh.at[idx], sem, add=True)
        return carry

    lax.fori_loop(0, CPW, body, 0)

    def drain(j, carry):
        idx = rid_v.at[pl.ds(j * CHUNK, CHUNK)]
        pltpu.make_async_copy(ones_v, deg_sh.at[idx], sem).wait()
        return carry

    lax.fori_loop(0, CPW, drain, 0)
    plsc.subcore_barrier()
    pltpu.sync_copy(deg_sh.at[pl.ds(s * SLICE, SLICE)],
                    deg_out.at[c, pl.ds(s * SLICE, SLICE)])


@functools.partial(
    pl.kernel,
    mesh=_mesh,
    out_type=jax.ShapeDtypeStruct((2, NPAD, D), jnp.float32),
    scratch_types=[
        pltpu.VMEM((IB * CHUNK,), jnp.int32),
        pltpu.VMEM((IB * CHUNK,), jnp.int32),
        pltpu.VMEM((IB * CHUNK,), jnp.int32),
        pltpu.VMEM((IB * CHUNK,), jnp.int32),
        pltpu.VMEM((CHUNK, D), jnp.float32),
        pltpu.VMEM((CHUNK, D), jnp.float32),
        pltpu.VMEM_SHARED((NPAD, D), jnp.float32),
    ] + [pltpu.SemaphoreType.DMA] * 4,
)
def _sc_aggregate(u_hbm, cols_hbm, rows_hbm, zeros2_hbm, s_out,
                  cidb0, cidb1, ridb0, ridb1, bufa, bufb, s_sh,
                  isem0, isem1, gsema, gsemb):
    cidb = (cidb0, cidb1)
    ridb = (ridb0, ridb1)
    bufs = (bufa, bufb)
    gsem = (gsema, gsemb)
    isem = (isem0, isem1)
    c = lax.axis_index("c")
    s = lax.axis_index("s")
    wid = s * 2 + c
    start = wid * EPW
    IBE = IB * CHUNK

    pltpu.sync_copy(cols_hbm.at[pl.ds(start, IBE)], cidb0)
    pltpu.sync_copy(rows_hbm.at[pl.ds(start, IBE)], ridb0)
    pltpu.sync_copy(zeros2_hbm.at[pl.ds(s * SLICE, SLICE)],
                    s_sh.at[pl.ds(s * SLICE, SLICE)])
    plsc.subcore_barrier()
    pltpu.async_copy(u_hbm.at[cidb0.at[pl.ds(0, CHUNK)]], bufa, gsema)

    def pair_body(p, carry):
        for bb in range(2):
            b = 2 * p + bb
            nbb = 1 - bb
            nslab = pl.ds(start + (b + 1) * IBE, IBE)
            for t in range(IB):
                sl = t % 2
                slp = 1 - sl
                cid = cidb[bb].at[pl.ds(t * CHUNK, CHUNK)]
                rid = ridb[bb].at[pl.ds(t * CHUNK, CHUNK)]

                pltpu.make_async_copy(u_hbm.at[cid], bufs[sl],
                                      gsem[sl]).wait()

                if t == IB - 1:
                    @pl.when(b < NB - 1)
                    def _():
                        pltpu.make_async_copy(cols_hbm.at[nslab],
                                              cidb[nbb], isem[nbb]).wait()
                        pltpu.make_async_copy(rows_hbm.at[nslab],
                                              ridb[nbb], isem[nbb]).wait()
                        pltpu.async_copy(
                            u_hbm.at[cidb[nbb].at[pl.ds(0, CHUNK)]],
                            bufs[slp], gsem[slp])
                else:
                    pltpu.async_copy(
                        u_hbm.at[cidb[bb].at[pl.ds((t + 1) * CHUNK, CHUNK)]],
                        bufs[slp], gsem[slp])

                pltpu.sync_copy(bufs[sl], s_sh.at[rid], add=True)

                if t == 2:
                    @pl.when(b < NB - 1)
                    def _():
                        pltpu.async_copy(cols_hbm.at[nslab], cidb[nbb],
                                         isem[nbb])
                        pltpu.async_copy(rows_hbm.at[nslab], ridb[nbb],
                                         isem[nbb])
        return carry

    lax.fori_loop(0, NB // 2, pair_body, 0)
    plsc.subcore_barrier()
    pltpu.sync_copy(s_sh.at[pl.ds(s * SLICE, SLICE)],
                    s_out.at[c, pl.ds(s * SLICE, SLICE)])


def _tc_scale_body(deg_ref, x_ref, u_ref, dinv_ref):
    deg = deg_ref[0] + deg_ref[1]
    dinv = lax.rsqrt(deg)
    dinv_ref[...] = dinv
    u_ref[...] = dinv * x_ref[...]


def _tc_final_body(s_ref, u_ref, dinv_ref, w_ref, b_ref, out_ref):
    agg = s_ref[0] + s_ref[1] + u_ref[...]
    h = dinv_ref[...] * agg
    hw = lax.dot_general(h, w_ref[...], (((1,), (1,)), ((), ())),
                         preferred_element_type=jnp.float32)
    out_ref[...] = jnp.maximum(hw + b_ref[...], 0.0)


BLK = 2000
GRID = N // BLK


def kernel(x, edge_index, W, b):
    pad = EPAD - E
    ar = jnp.arange(pad, dtype=jnp.int32)
    rows_h = jnp.concatenate([edge_index[0], N + ar % (NPAD - N)])
    rows_a = jnp.concatenate([edge_index[0], ar % N])
    cols_a = jnp.concatenate([edge_index[1], N + ar % (NPAD - N)])
    zeros1 = jnp.zeros((NPAD,), jnp.float32)
    zeros2 = jnp.zeros((NPAD, D), jnp.float32)

    deg_parts = _sc_degree(rows_h, zeros1).reshape(2, NPAD, 1)

    u, dinv = pl.pallas_call(
        _tc_scale_body,
        grid=(GRID,),
        in_specs=[
            pl.BlockSpec((2, BLK, 1), lambda i: (0, i, 0)),
            pl.BlockSpec((BLK, D), lambda i: (i, 0)),
        ],
        out_specs=[
            pl.BlockSpec((BLK, D), lambda i: (i, 0)),
            pl.BlockSpec((BLK, 1), lambda i: (i, 0)),
        ],
        out_shape=[
            jax.ShapeDtypeStruct((N, D), jnp.float32),
            jax.ShapeDtypeStruct((N, 1), jnp.float32),
        ],
    )(deg_parts, x)

    u_pad = jnp.concatenate([u, jnp.zeros((NPAD - N, D), jnp.float32)])
    s_parts = _sc_aggregate(u_pad, cols_a, rows_a, zeros2)

    out = pl.pallas_call(
        _tc_final_body,
        grid=(GRID,),
        in_specs=[
            pl.BlockSpec((2, BLK, D), lambda i: (0, i, 0)),
            pl.BlockSpec((BLK, D), lambda i: (i, 0)),
            pl.BlockSpec((BLK, 1), lambda i: (i, 0)),
            pl.BlockSpec((D, D), lambda i: (0, 0)),
            pl.BlockSpec((1, D), lambda i: (0, 0)),
        ],
        out_specs=pl.BlockSpec((BLK, D), lambda i: (i, 0)),
        out_shape=jax.ShapeDtypeStruct((N, D), jnp.float32),
    )(s_parts, u, dinv, W, b.reshape(1, D))

    return out

# --- scband reference (transcript-rebuilt; emitter-appended) ---
"""Pipeline reference for scband-gcnlayer-53377853554877 (READ-ONLY COPY).

The authoritative reference and input builder live on the scoring server;
editing this copy changes nothing except your own understanding.
"""

import jax
import jax.numpy as jnp
import numpy as np

N = 10000
E = 320000
D_IN = 128
D_OUT = 128


def setup_inputs(seed: int = 0) -> dict:
    key = jax.random.key(seed)
    k1, k2, k3, k4 = jax.random.split(key, 4)
    x = jax.random.normal(k1, (N, D_IN), dtype=jnp.float32)
    edge_index = jax.random.randint(k2, (2, E), 0, N, dtype=jnp.int32)
    # Learned params of nn.Linear(in_size=128, out_size=128)
    W = jax.random.normal(k3, (D_OUT, D_IN), dtype=jnp.float32) * 0.05
    b = jax.random.normal(k4, (D_OUT,), dtype=jnp.float32) * 0.05
    return {"x": x, "edge_index": edge_index, "W": W, "b": b}


def reference(x, edge_index, W, b):
    num_nodes = x.shape[0]
    # degree(edge_index[0]) -- computed on the ORIGINAL edges (no self-loops), as in torch code
    deg = jnp.bincount(edge_index[0], length=num_nodes).astype(x.dtype)
    dinv = jnp.power(deg, -0.5)
    # add_self_loops
    loops = jnp.arange(num_nodes, dtype=edge_index.dtype)
    row = jnp.concatenate([edge_index[0], loops])
    col = jnp.concatenate([edge_index[1], loops])
    # (D^-1/2 A D^-1/2) @ x done sparsely: out[i] = dinv[i] * sum_{(i,j) in E'} dinv[j] * x[j]
    msg = dinv[col][:, None] * jnp.take(x, col, axis=0)
    agg = jax.ops.segment_sum(msg, row, num_segments=num_nodes)
    h = dinv[:, None] * agg
    out = h @ W.T + b
    return jax.nn.relu(out)

if __name__ == "__main__":
    import jax
    _d = setup_inputs()
    print(jax.jit(kernel)(*tuple(_d.values())))

</pallas_src>

<mosaic_0001>
#map = affine_map<(d0, d1) -> (0)>
#map1 = affine_map<(d0, d1) -> (0, 0)>
module attributes {stable_mosaic.version = 14 : i64} {
  func.func @_sc_degree(%arg0: i32, %arg1: i32, %arg2: memref<327680xi32, #tpu.memory_space<hbm>>, %arg3: memref<10240xf32, #tpu.memory_space<hbm>>, %arg4: memref<2x10240xf32, #tpu.memory_space<hbm>>, %arg5: memref<10240xi32, #tpu.memory_space<vmem>>, %arg6: memref<128xf32, #tpu.memory_space<vmem>>, %arg7: memref<10240xf32, #tpu.memory_space<vmem_shared>>, %arg8: memref<!tpu.dma_semaphore, #tpu.memory_space<semaphore_mem>>) attributes {dimension_semantics = [#tpu.dimension_semantics<core_parallel>, #tpu.dimension_semantics<subcore_parallel>], iteration_bounds = array<i64: 2, 16>, scalar_prefetch = 0 : i64, scratch_operands = 4 : i64, tpu.core_type = #tpu.core_type<sc_vector_subcore>, window_params = [{transform_indices = #map}, {transform_indices = #map}, {transform_indices = #map1}]} {
    %mul3A = arith.constant 2 : i32
    %mul3A_0 = arith.muli %arg1, %mul3A : i32
    %add3A = arith.addi %mul3A_0, %arg0 : i32
    %mul3A_1 = arith.constant 10240 : i32
    %mul3A_2 = arith.muli %add3A, %mul3A_1 : i32
    "tpu.region"() ({
      %run_scoped3A = tpu.sem_alloc : memref<!tpu.dma_semaphore, #tpu.memory_space<semaphore_mem>>
      %dma_start3A = tpu.memref_slice %arg2[%mul3A_2] : memref<327680xi32, #tpu.memory_space<hbm>> -> memref<10240xi32, #tpu.memory_space<hbm>>
      %dma_start3A_69 = tpu.memref_slice %arg2[%mul3A_2] : memref<327680xi32, #tpu.memory_space<hbm>> -> memref<10240xi32, #tpu.memory_space<hbm>>
      tpu.enqueue_dma source(%dma_start3A_69 : memref<10240xi32, #tpu.memory_space<hbm>>) target(%arg5 : memref<10240xi32, #tpu.memory_space<vmem>>) target_semaphore(%run_scoped3A : memref<!tpu.dma_semaphore, #tpu.memory_space<semaphore_mem>>)
      %dma_wait3A = tpu.memref_slice %arg2[%mul3A_2] : memref<327680xi32, #tpu.memory_space<hbm>> -> memref<10240xi32, #tpu.memory_space<hbm>>
      %dma_wait3A_70 = tpu.memref_slice %arg2[%mul3A_2] : memref<327680xi32, #tpu.memory_space<hbm>> -> memref<10240xi32, #tpu.memory_space<hbm>>
      tpu.wait_dma2 semaphore(%run_scoped3A : memref<!tpu.dma_semaphore, #tpu.memory_space<semaphore_mem>>) src(%dma_wait3A_70 : memref<10240xi32, #tpu.memory_space<hbm>>) dst(%arg5 : memref<10240xi32, #tpu.memory_space<vmem>>)
      tpu.yield
    }) : () -> ()
    %broadcast_in_dim3A = arith.constant 1.000000e+00 : f32
    %broadcast_in_dim3A_3 = vector.broadcast %broadcast_in_dim3A : f32 to vector<16xf32>
    %swap3A = arith.constant 0 : index
    %swap3A_4 = tpu.vector_load %arg6[%swap3A] {strides = array<i32>} : memref<128xf32, #tpu.memory_space<vmem>>, vector<16xf32>,
    %swap3A_5 = vector.shape_cast %swap3A_4 : vector<16xf32> to vector<16xf32>
    %swap3A_6 = vector.shape_cast %broadcast_in_dim3A_3 : vector<16xf32> to vector<16xf32>
    tpu.vector_store %arg6[%swap3A], %swap3A_6 {strides = array<i32>} : memref<128xf32, #tpu.memory_space<vmem>>, vector<16xf32>,
    %broadcast_in_dim3A_7 = arith.constant 1.000000e+00 : f32
    %broadcast_in_dim3A_8 = vector.broadcast %broadcast_in_dim3A_7 : f32 to vector<16xf32>
    %swap3A_9 = arith.constant 16 : index
    %swap3A_10 = tpu.vector_load %arg6[%swap3A_9] {strides = array<i32>} : memref<128xf32, #tpu.memory_space<vmem>>, vector<16xf32>,
    %swap3A_11 = vector.shape_cast %swap3A_10 : vector<16xf32> to vector<16xf32>
    %swap3A_12 = vector.shape_cast %broadcast_in_dim3A_8 : vector<16xf32> to vector<16xf32>
    tpu.vector_store %arg6[%swap3A_9], %swap3A_12 {strides = array<i32>} : memref<128xf32, #tpu.memory_space<vmem>>, vector<16xf32>,
    %broadcast_in_dim3A_13 = arith.constant 1.000000e+00 : f32
    %broadcast_in_dim3A_14 = vector.broadcast %broadcast_in_dim3A_13 : f32 to vector<16xf32>
    %swap3A_15 = arith.constant 32 : index
    %swap3A_16 = tpu.vector_load %arg6[%swap3A_15] {strides = array<i32>} : memref<128xf32, #tpu.memory_space<vmem>>, vector<16xf32>,
    %swap3A_17 = vector.shape_cast %swap3A_16 : vector<16xf32> to vector<16xf32>
    %swap3A_18 = vector.shape_cast %broadcast_in_dim3A_14 : vector<16xf32> to vector<16xf32>
    tpu.vector_store %arg6[%swap3A_15], %swap3A_18 {strides = array<i32>} : memref<128xf32, #tpu.memory_space<vmem>>, vector<16xf32>,
    %broadcast_in_dim3A_19 = arith.constant 1.000000e+00 : f32
    %broadcast_in_dim3A_20 = vector.broadcast %broadcast_in_dim3A_19 : f32 to vector<16xf32>
    %swap3A_21 = arith.constant 48 : index
    %swap3A_22 = tpu.vector_load %arg6[%swap3A_21] {strides = array<i32>} : memref<128xf32, #tpu.memory_space<vmem>>, vector<16xf32>,
    %swap3A_23 = vector.shape_cast %swap3A_22 : vector<16xf32> to vector<16xf32>
    %swap3A_24 = vector.shape_cast %broadcast_in_dim3A_20 : vector<16xf32> to vector<16xf32>
    tpu.vector_store %arg6[%swap3A_21], %swap3A_24 {strides = array<i32>} : memref<128xf32, #tpu.memory_space<vmem>>, vector<16xf32>,
    %broadcast_in_dim3A_25 = arith.constant 1.000000e+00 : f32
    %broadcast_in_dim3A_26 = vector.broadcast %broadcast_in_dim3A_25 : f32 to vector<16xf32>
    %swap3A_27 = arith.constant 64 : index
    %swap3A_28 = tpu.vector_load %arg6[%swap3A_27] {strides = array<i32>} : memref<128xf32, #tpu.memory_space<vmem>>, vector<16xf32>,
    %swap3A_29 = vector.shape_cast %swap3A_28 : vector<16xf32> to vector<16xf32>
    %swap3A_30 = vector.shape_cast %broadcast_in_dim3A_26 : vector<16xf32> to vector<16xf32>
    tpu.vector_store %arg6[%swap3A_27], %swap3A_30 {strides = array<i32>} : memref<128xf32, #tpu.memory_space<vmem>>, vector<16xf32>,
    %broadcast_in_dim3A_31 = arith.constant 1.000000e+00 : f32
    %broadcast_in_dim3A_32 = vector.broadcast %broadcast_in_dim3A_31 : f32 to vector<16xf32>
    %swap3A_33 = arith.constant 80 : index
    %swap3A_34 = tpu.vector_load %arg6[%swap3A_33] {strides = array<i32>} : memref<128xf32, #tpu.memory_space<vmem>>, vector<16xf32>,
    %swap3A_35 = vector.shape_cast %swap3A_34 : vector<16xf32> to vector<16xf32>
    %swap3A_36 = vector.shape_cast %broadcast_in_dim3A_32 : vector<16xf32> to vector<16xf32>
    tpu.vector_store %arg6[%swap3A_33], %swap3A_36 {strides = array<i32>} : memref<128xf32, #tpu.memory_space<vmem>>, vector<16xf32>,
    %broadcast_in_dim3A_37 = arith.constant 1.000000e+00 : f32
    %broadcast_in_dim3A_38 = vector.broadcast %broadcast_in_dim3A_37 : f32 to vector<16xf32>
    %swap3A_39 = arith.constant 96 : index
    %swap3A_40 = tpu.vector_load %arg6[%swap3A_39] {strides = array<i32>} : memref<128xf32, #tpu.memory_space<vmem>>, vector<16xf32>,
    %swap3A_41 = vector.shape_cast %swap3A_40 : vector<16xf32> to vector<16xf32>
    %swap3A_42 = vector.shape_cast %broadcast_in_dim3A_38 : vector<16xf32> to vector<16xf32>
    tpu.vector_store %arg6[%swap3A_39], %swap3A_42 {strides = array<i32>} : memref<128xf32, #tpu.memory_space<vmem>>, vector<16xf32>,
    %broadcast_in_dim3A_43 = arith.constant 1.000000e+00 : f32
    %broadcast_in_dim3A_44 = vector.broadcast %broadcast_in_dim3A_43 : f32 to vector<16xf32>
    %swap3A_45 = arith.constant 112 : index
    %swap3A_46 = tpu.vector_load %arg6[%swap3A_45] {strides = array<i32>} : memref<128xf32, #tpu.memory_space<vmem>>, vector<16xf32>,
    %swap3A_47 = vector.shape_cast %swap3A_46 : vector<16xf32> to vector<16xf32>
    %swap3A_48 = vector.shape_cast %broadcast_in_dim3A_44 : vector<16xf32> to vector<16xf32>
    tpu.vector_store %arg6[%swap3A_45], %swap3A_48 {strides = array<i32>} : memref<128xf32, #tpu.memory_space<vmem>>, vector<16xf32>,
    %mul3A_49 = arith.constant 640 : i32
    %mul3A_50 = arith.muli %arg1, %mul3A_49 : i32
    %mul3A_51 = arith.constant 640 : i32
    %mul3A_52 = arith.muli %arg1, %mul3A_51 : i32
    "tpu.region"() ({
      %run_scoped3A = tpu.sem_alloc : memref<!tpu.dma_semaphore, #tpu.memory_space<semaphore_mem>>
      %dma_start3A = tpu.memref_slice %arg7[%mul3A_52] : memref<10240xf32, #tpu.memory_space<vmem_shared>> -> memref<640xf32, #tpu.memory_space<vmem_shared>>
      %dma_start3A_69 = tpu.memref_slice %arg3[%mul3A_50] : memref<10240xf32, #tpu.memory_space<hbm>> -> memref<640xf32, #tpu.memory_space<hbm>>
      tpu.enqueue_dma source(%dma_start3A_69 : memref<640xf32, #tpu.memory_space<hbm>>) target(%dma_start3A : memref<640xf32, #tpu.memory_space<vmem_shared>>) target_semaphore(%run_scoped3A : memref<!tpu.dma_semaphore, #tpu.memory_space<semaphore_mem>>)
      %dma_wait3A = tpu.memref_slice %arg7[%mul3A_52] : memref<10240xf32, #tpu.memory_space<vmem_shared>> -> memref<640xf32, #tpu.memory_space<vmem_shared>>
      %dma_wait3A_70 = tpu.memref_slice %arg3[%mul3A_50] : memref<10240xf32, #tpu.memory_space<hbm>> -> memref<640xf32, #tpu.memory_space<hbm>>
      tpu.wait_dma2 semaphore(%run_scoped3A : memref<!tpu.dma_semaphore, #tpu.memory_space<semaphore_mem>>) src(%dma_wait3A_70 : memref<640xf32, #tpu.memory_space<hbm>>) dst(%dma_wait3A : memref<640xf32, #tpu.memory_space<vmem_shared>>)
      tpu.yield
    }) : () -> ()
    %barrier3A = arith.constant 0 : index
    tpu.barrier barrier_id(%barrier3A)
    %scan3A = arith.constant 0 : i32
    %scan3A_53 = arith.constant 0 : i32
    %scan3A_54 = arith.constant 80 : i32
    %scan3A_55 = arith.addi %scan3A_53, %scan3A_54 : i32
    %scan3A_56 = arith.constant 1 : i32
    scf.for %scan3A_69 = %scan3A_53 to %scan3A_55 step %scan3A_56  : i32 {
      %mul3A_70 = arith.constant 128 : i32
      %mul3A_71 = arith.muli %scan3A_69, %mul3A_70 : i32
      %dma_start3A = tpu.memref_slice %arg5[%mul3A_71] : memref<10240xi32, #tpu.memory_space<vmem>> -> memref<128xi32, #tpu.memory_space<vmem>>
      %dma_start3A_72 = arith.constant 0 : i32
      %dma_start3A_73 = tpu.memref_slice %arg7[%dma_start3A_72] : memref<10240xf32, #tpu.memory_space<vmem_shared>> -> memref<10240xf32, #tpu.memory_space<vmem_shared>>
      tpu.enqueue_indirect_dma source(%arg6 : memref<128xf32, #tpu.memory_space<vmem>>) target(%dma_start3A_73 : memref<10240xf32, #tpu.memory_space<vmem_shared>>) offsets(%dma_start3A : memref<128xi32, #tpu.memory_space<vmem>>) semaphore(%arg8 : memref<!tpu.dma_semaphore, #tpu.memory_space<semaphore_mem>>) {add = true}
    }
    %scan3A_57 = arith.constant 80 : i32
    %scan3A_58 = arith.constant 0 : i32
    %scan3A_59 = arith.constant 0 : i32
    %scan3A_60 = arith.constant 80 : i32
    %scan3A_61 = arith.addi %scan3A_59, %scan3A_60 : i32
    %scan3A_62 = arith.constant 1 : i32
    scf.for %scan3A_69 = %scan3A_59 to %scan3A_61 step %scan3A_62  : i32 {
      %mul3A_70 = arith.constant 128 : i32
      %mul3A_71 = arith.muli %scan3A_69, %mul3A_70 : i32
      %dma_wait3A = tpu.memref_slice %arg5[%mul3A_71] : memref<10240xi32, #tpu.memory_space<vmem>> -> memref<128xi32, #tpu.memory_space<vmem>>
      %dma_wait3A_72 = arith.constant 0 : i32
      %dma_wait3A_73 = tpu.memref_slice %arg7[%dma_wait3A_72] : memref<10240xf32, #tpu.memory_space<vmem_shared>> -> memref<10240xf32, #tpu.memory_space<vmem_shared>>
      tpu.wait_indirect_dma semaphore(%arg8 : memref<!tpu.dma_semaphore, #tpu.memory_space<semaphore_mem>>) src(%arg6 : memref<128xf32, #tpu.memory_space<vmem>>) dst(%dma_wait3A_73 : memref<10240xf32, #tpu.memory_space<vmem_shared>>)
    }
    %scan3A_63 = arith.constant 80 : i32
    %barrier3A_64 = arith.constant 0 : index
    tpu.barrier barrier_id(%barrier3A_64)
    %mul3A_65 = arith.constant 640 : i32
    %mul3A_66 = arith.muli %arg1, %mul3A_65 : i32
    %mul3A_67 = arith.constant 640 : i32
    %mul3A_68 = arith.muli %arg1, %mul3A_67 : i32
    "tpu.region"() ({
      %run_scoped3A = tpu.sem_alloc : memref<!tpu.dma_semaphore, #tpu.memory_space<semaphore_mem>>
      %dma_start3A = tpu.memref_slice %arg4[%arg0, %mul3A_68] : memref<2x10240xf32, #tpu.memory_space<hbm>> -> memref<1x640xf32, #tpu.memory_space<hbm>>
      %dma_start3A_69 = tpu.memref_squeeze %dma_start3A : memref<1x640xf32, #tpu.memory_space<hbm>> -> memref<640xf32, #tpu.memory_space<hbm>>
      %dma_start3A_70 = tpu.memref_slice %arg7[%mul3A_66] : memref<10240xf32, #tpu.memory_space<vmem_shared>> -> memref<640xf32, #tpu.memory_space<vmem_shared>>
      tpu.enqueue_dma source(%dma_start3A_70 : memref<640xf32, #tpu.memory_space<vmem_shared>>) target(%dma_start3A_69 : memref<640xf32, #tpu.memory_space<hbm>>) target_semaphore(%run_scoped3A : memref<!tpu.dma_semaphore, #tpu.memory_space<semaphore_mem>>)
      %dma_wait3A = tpu.memref_slice %arg4[%arg0, %mul3A_68] : memref<2x10240xf32, #tpu.memory_space<hbm>> -> memref<1x640xf32, #tpu.memory_space<hbm>>
      %dma_wait3A_71 = tpu.memref_squeeze %dma_wait3A : memref<1x640xf32, #tpu.memory_space<hbm>> -> memref<640xf32, #tpu.memory_space<hbm>>
      %dma_wait3A_72 = tpu.memref_slice %arg7[%mul3A_66] : memref<10240xf32, #tpu.memory_space<vmem_shared>> -> memref<640xf32, #tpu.memory_space<vmem_shared>>
      tpu.wait_dma2 semaphore(%run_scoped3A : memref<!tpu.dma_semaphore, #tpu.memory_space<semaphore_mem>>) src(%dma_wait3A_72 : memref<640xf32, #tpu.memory_space<vmem_shared>>) dst(%dma_wait3A_71 : memref<640xf32, #tpu.memory_space<hbm>>)
      tpu.yield
    }) : () -> ()
    return
  }
}

#map = affine_map<(d0, d1) -> (0, 0)>
#map1 = affine_map<(d0, d1) -> (0)>
#map2 = affine_map<(d0, d1) -> (0, 0, 0)>
module attributes {stable_mosaic.version = 14 : i64} {
  func.func @_sc_aggregate(%arg0: i32, %arg1: i32, %arg2: memref<10240x128xf32, #tpu.memory_space<hbm>>, %arg3: memref<327680xi32, #tpu.memory_space<hbm>>, %arg4: memref<327680xi32, #tpu.memory_space<hbm>>, %arg5: memref<10240x128xf32, #tpu.memory_space<hbm>>, %arg6: memref<2x10240x128xf32, #tpu.memory_space<hbm>>, %arg7: memref<1024xi32, #tpu.memory_space<vmem>>, %arg8: memref<1024xi32, #tpu.memory_space<vmem>>, %arg9: memref<1024xi32, #tpu.memory_space<vmem>>, %arg10: memref<1024xi32, #tpu.memory_space<vmem>>, %arg11: memref<128x128xf32, #tpu.memory_space<vmem>>, %arg12: memref<128x128xf32, #tpu.memory_space<vmem>>, %arg13: memref<10240x128xf32, #tpu.memory_space<vmem_shared>>, %arg14: memref<!tpu.dma_semaphore, #tpu.memory_space<semaphore_mem>>, %arg15: memref<!tpu.dma_semaphore, #tpu.memory_space<semaphore_mem>>, %arg16: memref<!tpu.dma_semaphore, #tpu.memory_space<semaphore_mem>>, %arg17: memref<!tpu.dma_semaphore, #tpu.memory_space<semaphore_mem>>) attributes {dimension_semantics = [#tpu.dimension_semantics<core_parallel>, #tpu.dimension_semantics<subcore_parallel>], iteration_bounds = array<i64: 2, 16>, scalar_prefetch = 0 : i64, scratch_operands = 11 : i64, tpu.core_type = #tpu.core_type<sc_vector_subcore>, window_params = [{transform_indices = #map}, {transform_indices = #map1}, {transform_indices = #map1}, {transform_indices = #map}, {transform_indices = #map2}]} {
    %mul3A = arith.constant 2 : i32
    %mul3A_0 = arith.muli %arg1, %mul3A : i32
    %add3A = arith.addi %mul3A_0, %arg0 : i32
    %mul3A_1 = arith.constant 10240 : i32
    %mul3A_2 = arith.muli %add3A, %mul3A_1 : i32
    "tpu.region"() ({
      %run_scoped3A = tpu.sem_alloc : memref<!tpu.dma_semaphore, #tpu.memory_space<semaphore_mem>>
      %dma_start3A_21 = tpu.memref_slice %arg3[%mul3A_2] : memref<327680xi32, #tpu.memory_space<hbm>> -> memref<1024xi32, #tpu.memory_space<hbm>>
      %dma_start3A_22 = tpu.memref_slice %arg3[%mul3A_2] : memref<327680xi32, #tpu.memory_space<hbm>> -> memref<1024xi32, #tpu.memory_space<hbm>>
      tpu.enqueue_dma source(%dma_start3A_22 : memref<1024xi32, #tpu.memory_space<hbm>>) target(%arg7 : memref<1024xi32, #tpu.memory_space<vmem>>) target_semaphore(%run_scoped3A : memref<!tpu.dma_semaphore, #tpu.memory_space<semaphore_mem>>)
      %dma_wait3A = tpu.memref_slice %arg3[%mul3A_2] : memref<327680xi32, #tpu.memory_space<hbm>> -> memref<1024xi32, #tpu.memory_space<hbm>>
      %dma_wait3A_23 = tpu.memref_slice %arg3[%mul3A_2] : memref<327680xi32, #tpu.memory_space<hbm>> -> memref<1024xi32, #tpu.memory_space<hbm>>
      tpu.wait_dma2 semaphore(%run_scoped3A : memref<!tpu.dma_semaphore, #tpu.memory_space<semaphore_mem>>) src(%dma_wait3A_23 : memref<1024xi32, #tpu.memory_space<hbm>>) dst(%arg7 : memref<1024xi32, #tpu.memory_space<vmem>>)
      tpu.yield
    }) : () -> ()
    "tpu.region"() ({
      %run_scoped3A = tpu.sem_alloc : memref<!tpu.dma_semaphore, #tpu.memory_space<semaphore_mem>>
      %dma_start3A_21 = tpu.memref_slice %arg4[%mul3A_2] : memref<327680xi32, #tpu.memory_space<hbm>> -> memref<1024xi32, #tpu.memory_space<hbm>>
      %dma_start3A_22 = tpu.memref_slice %arg4[%mul3A_2] : memref<327680xi32, #tpu.memory_space<hbm>> -> memref<1024xi32, #tpu.memory_space<hbm>>
      tpu.enqueue_dma source(%dma_start3A_22 : memref<1024xi32, #tpu.memory_space<hbm>>) target(%arg9 : memref<1024xi32, #tpu.memory_space<vmem>>) target_semaphore(%run_scoped3A : memref<!tpu.dma_semaphore, #tpu.memory_space<semaphore_mem>>)
      %dma_wait3A = tpu.memref_slice %arg4[%mul3A_2] : memref<327680xi32, #tpu.memory_space<hbm>> -> memref<1024xi32, #tpu.memory_space<hbm>>
      %dma_wait3A_23 = tpu.memref_slice %arg4[%mul3A_2] : memref<327680xi32, #tpu.memory_space<hbm>> -> memref<1024xi32, #tpu.memory_space<hbm>>
      tpu.wait_dma2 semaphore(%run_scoped3A : memref<!tpu.dma_semaphore, #tpu.memory_space<semaphore_mem>>) src(%dma_wait3A_23 : memref<1024xi32, #tpu.memory_space<hbm>>) dst(%arg9 : memref<1024xi32, #tpu.memory_space<vmem>>)
      tpu.yield
    }) : () -> ()
    %mul3A_3 = arith.constant 640 : i32
    %mul3A_4 = arith.muli %arg1, %mul3A_3 : i32
    %mul3A_5 = arith.constant 640 : i32
    %mul3A_6 = arith.muli %arg1, %mul3A_5 : i32
    "tpu.region"() ({
      %run_scoped3A = tpu.sem_alloc : memref<!tpu.dma_semaphore, #tpu.memory_space<semaphore_mem>>
      %dma_start3A_21 = arith.constant 0 : i32
      %dma_start3A_22 = tpu.memref_slice %arg13[%mul3A_6, %dma_start3A_21] : memref<10240x128xf32, #tpu.memory_space<vmem_shared>> -> memref<640x128xf32, #tpu.memory_space<vmem_shared>>
      %dma_start3A_23 = arith.constant 0 : i32
      %dma_start3A_24 = tpu.memref_slice %arg5[%mul3A_4, %dma_start3A_23] : memref<10240x128xf32, #tpu.memory_space<hbm>> -> memref<640x128xf32, #tpu.memory_space<hbm>>
      tpu.enqueue_dma source(%dma_start3A_24 : memref<640x128xf32, #tpu.memory_space<hbm>>) target(%dma_start3A_22 : memref<640x128xf32, #tpu.memory_space<vmem_shared>>) target_semaphore(%run_scoped3A : memref<!tpu.dma_semaphore, #tpu.memory_space<semaphore_mem>>)
      %dma_wait3A = arith.constant 0 : i32
      %dma_wait3A_25 = tpu.memref_slice %arg13[%mul3A_6, %dma_wait3A] : memref<10240x128xf32, #tpu.memory_space<vmem_shared>> -> memref<640x128xf32, #tpu.memory_space<vmem_shared>>
      %dma_wait3A_26 = arith.constant 0 : i32
      %dma_wait3A_27 = tpu.memref_slice %arg5[%mul3A_4, %dma_wait3A_26] : memref<10240x128xf32, #tpu.memory_space<hbm>> -> memref<640x128xf32, #tpu.memory_space<hbm>>
      tpu.wait_dma2 semaphore(%run_scoped3A : memref<!tpu.dma_semaphore, #tpu.memory_space<semaphore_mem>>) src(%dma_wait3A_27 : memref<640x128xf32, #tpu.memory_space<hbm>>) dst(%dma_wait3A_25 : memref<640x128xf32, #tpu.memory_space<vmem_shared>>)
      tpu.yield
    }) : () -> ()
    %barrier3A = arith.constant 0 : index
    tpu.barrier barrier_id(%barrier3A)
    %dma_start3A = arith.constant 0 : i32
    %dma_start3A_7 = tpu.memref_slice %arg7[%dma_start3A] : memref<1024xi32, #tpu.memory_space<vmem>> -> memref<128xi32, #tpu.memory_space<vmem>>
    %dma_start3A_8 = arith.constant 0 : i32
    %dma_start3A_9 = arith.constant 0 : i32
    %dma_start3A_10 = tpu.memref_slice %arg2[%dma_start3A_8, %dma_start3A_9] : memref<10240x128xf32, #tpu.memory_space<hbm>> -> memref<10240x128xf32, #tpu.memory_space<hbm>>
    tpu.enqueue_indirect_dma source(%dma_start3A_10 : memref<10240x128xf32, #tpu.memory_space<hbm>>) target(%arg11 : memref<128x128xf32, #tpu.memory_space<vmem>>) offsets(%dma_start3A_7 : memref<128xi32, #tpu.memory_space<vmem>>) semaphore(%arg16 : memref<!tpu.dma_semaphore, #tpu.memory_space<semaphore_mem>>)
    %scan3A = arith.constant 0 : i32
    %scan3A_11 = arith.constant 0 : i32
    %scan3A_12 = arith.constant 5 : i32
    %scan3A_13 = arith.addi %scan3A_11, %scan3A_12 : i32
    %scan3A_14 = arith.constant 1 : i32
    scf.for %scan3A_21 = %scan3A_11 to %scan3A_13 step %scan3A_14  : i32 {
      %mul3A_22 = arith.constant 2 : i32
      %mul3A_23 = arith.muli %mul3A_22, %scan3A_21 : i32
      %add3A_24 = arith.constant 0 : i32
      %add3A_25 = arith.addi %mul3A_23, %add3A_24 : i32
      %add3A_26 = arith.constant 1 : i32
      %add3A_27 = arith.addi %add3A_25, %add3A_26 : i32
      %mul3A_28 = arith.constant 1024 : i32
      %mul3A_29 = arith.muli %add3A_27, %mul3A_28 : i32
      %add3A_30 = arith.addi %mul3A_2, %mul3A_29 : i32
      %dma_wait3A = arith.constant 0 : i32
      %dma_wait3A_31 = tpu.memref_slice %arg7[%dma_wait3A] : memref<1024xi32, #tpu.memory_space<vmem>> -> memref<128xi32, #tpu.memory_space<vmem>>
      %dma_wait3A_32 = arith.constant 0 : i32
      %dma_wait3A_33 = arith.constant 0 : i32
      %dma_wait3A_34 = tpu.memref_slice %arg2[%dma_wait3A_32, %dma_wait3A_33] : memref<10240x128xf32, #tpu.memory_space<hbm>> -> memref<10240x128xf32, #tpu.memory_space<hbm>>
      tpu.wait_indirect_dma semaphore(%arg16 : memref<!tpu.dma_semaphore, #tpu.memory_space<semaphore_mem>>) src(%dma_wait3A_34 : memref<10240x128xf32, #tpu.memory_space<hbm>>) dst(%arg11 : memref<128x128xf32, #tpu.memory_space<vmem>>)
      %dma_start3A_35 = arith.constant 128 : i32
      %dma_start3A_36 = tpu.memref_slice %arg7[%dma_start3A_35] : memref<1024xi32, #tpu.memory_space<vmem>> -> memref<128xi32, #tpu.memory_space<vmem>>
      %dma_start3A_37 = arith.constant 0 : i32
      %dma_start3A_38 = arith.constant 0 : i32
      %dma_start3A_39 = tpu.memref_slice %arg2[%dma_start3A_37, %dma_start3A_38] : memref<10240x128xf32, #tpu.memory_space<hbm>> -> memref<10240x128xf32, #tpu.memory_space<hbm>>
      tpu.enqueue_indirect_dma source(%dma_start3A_39 : memref<10240x128xf32, #tpu.memory_space<hbm>>) target(%arg12 : memref<128x128xf32, #tpu.memory_space<vmem>>) offsets(%dma_start3A_36 : memref<128xi32, #tpu.memory_space<vmem>>) semaphore(%arg17 : memref<!tpu.dma_semaphore, #tpu.memory_space<semaphore_mem>>)
      "tpu.region"() ({
        %run_scoped3A = tpu.sem_alloc : memref<!tpu.dma_semaphore, #tpu.memory_space<semaphore_mem>>
        %dma_start3A_206 = arith.constant 0 : i32
        %dma_start3A_207 = tpu.memref_slice %arg9[%dma_start3A_206] : memref<1024xi32, #tpu.memory_space<vmem>> -> memref<128xi32, #tpu.memory_space<vmem>>
        %dma_start3A_208 = arith.constant 0 : i32
        %dma_start3A_209 = arith.constant 0 : i32
        %dma_start3A_210 = tpu.memref_slice %arg13[%dma_start3A_208, %dma_start3A_209] : memref<10240x128xf32, #tpu.memory_space<vmem_shared>> -> memref<10240x128xf32, #tpu.memory_space<vmem_shared>>
        tpu.enqueue_indirect_dma source(%arg11 : memref<128x128xf32, #tpu.memory_space<vmem>>) target(%dma_start3A_210 : memref<10240x128xf32, #tpu.memory_space<vmem_shared>>) offsets(%dma_start3A_207 : memref<128xi32, #tpu.memory_space<vmem>>) semaphore(%run_scoped3A : memref<!tpu.dma_semaphore, #tpu.memory_space<semaphore_mem>>) {add = true}
        %dma_wait3A_211 = arith.constant 0 : i32
        %dma_wait3A_212 = tpu.memref_slice %arg9[%dma_wait3A_211] : memref<1024xi32, #tpu.memory_space<vmem>> -> memref<128xi32, #tpu.memory_space<vmem>>
        %dma_wait3A_213 = arith.constant 0 : i32
        %dma_wait3A_214 = arith.constant 0 : i32
        %dma_wait3A_215 = tpu.memref_slice %arg13[%dma_wait3A_213, %dma_wait3A_214] : memref<10240x128xf32, #tpu.memory_space<vmem_shared>> -> memref<10240x128xf32, #tpu.memory_space<vmem_shared>>
        tpu.wait_indirect_dma semaphore(%run_scoped3A : memref<!tpu.dma_semaphore, #tpu.memory_space<semaphore_mem>>) src(%arg11 : memref<128x128xf32, #tpu.memory_space<vmem>>) dst(%dma_wait3A_215 : memref<10240x128xf32, #tpu.memory_space<vmem_shared>>)
        tpu.yield
      }) : () -> ()
      %dma_wait3A_40 = arith.constant 128 : i32
      %dma_wait3A_41 = tpu.memref_slice %arg7[%dma_wait3A_40] : memref<1024xi32, #tpu.memory_space<vmem>> -> memref<128xi32, #tpu.memory_space<vmem>>
      %dma_wait3A_42 = arith.constant 0 : i32
      %dma_wait3A_43 = arith.constant 0 : i32
      %dma_wait3A_44 = tpu.memref_slice %arg2[%dma_wait3A_42, %dma_wait3A_43] : memref<10240x128xf32, #tpu.memory_space<hbm>> -> memref<10240x128xf32, #tpu.memory_space<hbm>>
      tpu.wait_indirect_dma semaphore(%arg17 : memref<!tpu.dma_semaphore, #tpu.memory_space<semaphore_mem>>) src(%dma_wait3A_44 : memref<10240x128xf32, #tpu.memory_space<hbm>>) dst(%arg12 : memref<128x128xf32, #tpu.memory_space<vmem>>)
      %dma_start3A_45 = arith.constant 256 : i32
      %dma_start3A_46 = tpu.memref_slice %arg7[%dma_start3A_45] : memref<1024xi32, #tpu.memory_space<vmem>> -> memref<128xi32, #tpu.memory_space<vmem>>
      %dma_start3A_47 = arith.constant 0 : i32
      %dma_start3A_48 = arith.constant 0 : i32
      %dma_start3A_49 = tpu.memref_slice %arg2[%dma_start3A_47, %dma_start3A_48] : memref<10240x128xf32, #tpu.memory_space<hbm>> -> memref<10240x128xf32, #tpu.memory_space<hbm>>
      tpu.enqueue_indirect_dma source(%dma_start3A_49 : memref<10240x128xf32, #tpu.memory_space<hbm>>) target(%arg11 : memref<128x128xf32, #tpu.memory_space<vmem>>) offsets(%dma_start3A_46 : memref<128xi32, #tpu.memory_space<vmem>>) semaphore(%arg16 : memref<!tpu.dma_semaphore, #tpu.memory_space<semaphore_mem>>)
      "tpu.region"() ({
        %run_scoped3A = tpu.sem_alloc : memref<!tpu.dma_semaphore, #tpu.memory_space<semaphore_mem>>
        %dma_start3A_206 = arith.constant 128 : i32
        %dma_start3A_207 = tpu.memref_slice %arg9[%dma_start3A_206] : memref<1024xi32, #tpu.memory_space<vmem>> -> memref<128xi32, #tpu.memory_space<vmem>>
        %dma_start3A_208 = arith.constant 0 : i32
        %dma_start3A_209 = arith.constant 0 : i32
        %dma_start3A_210 = tpu.memref_slice %arg13[%dma_start3A_208, %dma_start3A_209] : memref<10240x128xf32, #tpu.memory_space<vmem_shared>> -> memref<10240x128xf32, #tpu.memory_space<vmem_shared>>
        tpu.enqueue_indirect_dma source(%arg12 : memref<128x128xf32, #tpu.memory_space<vmem>>) target(%dma_start3A_210 : memref<10240x128xf32, #tpu.memory_space<vmem_shared>>) offsets(%dma_start3A_207 : memref<128xi32, #tpu.memory_space<vmem>>) semaphore(%run_scoped3A : memref<!tpu.dma_semaphore, #tpu.memory_space<semaphore_mem>>) {add = true}
        %dma_wait3A_211 = arith.constant 128 : i32
        %dma_wait3A_212 = tpu.memref_slice %arg9[%dma_wait3A_211] : memref<1024xi32, #tpu.memory_space<vmem>> -> memref<128xi32, #tpu.memory_space<vmem>>
        %dma_wait3A_213 = arith.constant 0 : i32
        %dma_wait3A_214 = arith.constant 0 : i32
        %dma_wait3A_215 = tpu.memref_slice %arg13[%dma_wait3A_213, %dma_wait3A_214] : memref<10240x128xf32, #tpu.memory_space<vmem_shared>> -> memref<10240x128xf32, #tpu.memory_space<vmem_shared>>
        tpu.wait_indirect_dma semaphore(%run_scoped3A : memref<!tpu.dma_semaphore, #tpu.memory_space<semaphore_mem>>) src(%arg12 : memref<128x128xf32, #tpu.memory_space<vmem>>) dst(%dma_wait3A_215 : memref<10240x128xf32, #tpu.memory_space<vmem_shared>>)
        tpu.yield
      }) : () -> ()
      %dma_wait3A_50 = arith.constant 256 : i32
      %dma_wait3A_51 = tpu.memref_slice %arg7[%dma_wait3A_50] : memref<1024xi32, #tpu.memory_space<vmem>> -> memref<128xi32, #tpu.memory_space<vmem>>
      %dma_wait3A_52 = arith.constant 0 : i32
      %dma_wait3A_53 = arith.constant 0 : i32
      %dma_wait3A_54 = tpu.memref_slice %arg2[%dma_wait3A_52, %dma_wait3A_53] : memref<10240x128xf32, #tpu.memory_space<hbm>> -> memref<10240x128xf32, #tpu.memory_space<hbm>>
      tpu.wait_indirect_dma semaphore(%arg16 : memref<!tpu.dma_semaphore, #tpu.memory_space<semaphore_mem>>) src(%dma_wait3A_54 : memref<10240x128xf32, #tpu.memory_space<hbm>>) dst(%arg11 : memref<128x128xf32, #tpu.memory_space<vmem>>)
      %dma_start3A_55 = arith.constant 384 : i32
      %dma_start3A_56 = tpu.memref_slice %arg7[%dma_start3A_55] : memref<1024xi32, #tpu.memory_space<vmem>> -> memref<128xi32, #tpu.memory_space<vmem>>
      %dma_start3A_57 = arith.constant 0 : i32
      %dma_start3A_58 = arith.constant 0 : i32
      %dma_start3A_59 = tpu.memref_slice %arg2[%dma_start3A_57, %dma_start3A_58] : memref<10240x128xf32, #tpu.memory_space<hbm>> -> memref<10240x128xf32, #tpu.memory_space<hbm>>
      tpu.enqueue_indirect_dma source(%dma_start3A_59 : memref<10240x128xf32, #tpu.memory_space<hbm>>) target(%arg12 : memref<128x128xf32, #tpu.memory_space<vmem>>) offsets(%dma_start3A_56 : memref<128xi32, #tpu.memory_space<vmem>>) semaphore(%arg17 : memref<!tpu.dma_semaphore, #tpu.memory_space<semaphore_mem>>)
      "tpu.region"() ({
        %run_scoped3A = tpu.sem_alloc : memref<!tpu.dma_semaphore, #tpu.memory_space<semaphore_mem>>
        %dma_start3A_206 = arith.constant 256 : i32
        %dma_start3A_207 = tpu.memref_slice %arg9[%dma_start3A_206] : memref<1024xi32, #tpu.memory_space<vmem>> -> memref<128xi32, #tpu.memory_space<vmem>>
        %dma_start3A_208 = arith.constant 0 : i32
        %dma_start3A_209 = arith.constant 0 : i32
        %dma_start3A_210 = tpu.memref_slice %arg13[%dma_start3A_208, %dma_start3A_209] : memref<10240x128xf32, #tpu.memory_space<vmem_shared>> -> memref<10240x128xf32, #tpu.memory_space<vmem_shared>>
        tpu.enqueue_indirect_dma source(%arg11 : memref<128x128xf32, #tpu.memory_space<vmem>>) target(%dma_start3A_210 : memref<10240x128xf32, #tpu.memory_space<vmem_shared>>) offsets(%dma_start3A_207 : memref<128xi32, #tpu.memory_space<vmem>>) semaphore(%run_scoped3A : memref<!tpu.dma_semaphore, #tpu.memory_space<semaphore_mem>>) {add = true}
        %dma_wait3A_211 = arith.constant 256 : i32
        %dma_wait3A_212 = tpu.memref_slice %arg9[%dma_wait3A_211] : memref<1024xi32, #tpu.memory_space<vmem>> -> memref<128xi32, #tpu.memory_space<vmem>>
        %dma_wait3A_213 = arith.constant 0 : i32
        %dma_wait3A_214 = arith.constant 0 : i32
        %dma_wait3A_215 = tpu.memref_slice %arg13[%dma_wait3A_213, %dma_wait3A_214] : memref<10240x128xf32, #tpu.memory_space<vmem_shared>> -> memref<10240x128xf32, #tpu.memory_space<vmem_shared>>
        tpu.wait_indirect_dma semaphore(%run_scoped3A : memref<!tpu.dma_semaphore, #tpu.memory_space<semaphore_mem>>) src(%arg11 : memref<128x128xf32, #tpu.memory_space<vmem>>) dst(%dma_wait3A_215 : memref<10240x128xf32, #tpu.memory_space<vmem_shared>>)
        tpu.yield
      }) : () -> ()
      %lt3A = arith.constant 9 : i32
      %lt3A_60 = arith.cmpi slt, %add3A_25, %lt3A : i32
      %convert_element_type3A = arith.extui %lt3A_60 : i1 to i32
      %cond3A = arith.constant 0 : i32
      %cond3A_61 = arith.cmpi ne, %convert_element_type3A, %cond3A : i32
      scf.if %cond3A_61 {
        %dma_start3A_206 = tpu.memref_slice %arg3[%add3A_30] : memref<327680xi32, #tpu.memory_space<hbm>> -> memref<1024xi32, #tpu.memory_space<hbm>>
        %dma_start3A_207 = tpu.memref_slice %arg3[%add3A_30] : memref<327680xi32, #tpu.memory_space<hbm>> -> memref<1024xi32, #tpu.memory_space<hbm>>
        tpu.enqueue_dma source(%dma_start3A_207 : memref<1024xi32, #tpu.memory_space<hbm>>) target(%arg8 : memref<1024xi32, #tpu.memory_space<vmem>>) target_semaphore(%arg15 : memref<!tpu.dma_semaphore, #tpu.memory_space<semaphore_mem>>)
        %dma_start3A_208 = tpu.memref_slice %arg4[%add3A_30] : memref<327680xi32, #tpu.memory_space<hbm>> -> memref<1024xi32, #tpu.memory_space<hbm>>
        %dma_start3A_209 = tpu.memref_slice %arg4[%add3A_30] : memref<327680xi32, #tpu.memory_space<hbm>> -> memref<1024xi32, #tpu.memory_space<hbm>>
        tpu.enqueue_dma source(%dma_start3A_209 : memref<1024xi32, #tpu.memory_space<hbm>>) target(%arg10 : memref<1024xi32, #tpu.memory_space<vmem>>) target_semaphore(%arg15 : memref<!tpu.dma_semaphore, #tpu.memory_space<semaphore_mem>>)
      } else {
      }
      %dma_wait3A_62 = arith.constant 384 : i32
      %dma_wait3A_63 = tpu.memref_slice %arg7[%dma_wait3A_62] : memref<1024xi32, #tpu.memory_space<vmem>> -> memref<128xi32, #tpu.memory_space<vmem>>
      %dma_wait3A_64 = arith.constant 0 : i32
      %dma_wait3A_65 = arith.constant 0 : i32
      %dma_wait3A_66 = tpu.memref_slice %arg2[%dma_wait3A_64, %dma_wait3A_65] : memref<10240x128xf32, #tpu.memory_space<hbm>> -> memref<10240x128xf32, #tpu.memory_space<hbm>>
      tpu.wait_indirect_dma semaphore(%arg17 : memref<!tpu.dma_semaphore, #tpu.memory_space<semaphore_mem>>) src(%dma_wait3A_66 : memref<10240x128xf32, #tpu.memory_space<hbm>>) dst(%arg12 : memref<128x128xf32, #tpu.memory_space<vmem>>)
      %dma_start3A_67 = arith.constant 512 : i32
      %dma_start3A_68 = tpu.memref_slice %arg7[%dma_start3A_67] : memref<1024xi32, #tpu.memory_space<vmem>> -> memref<128xi32, #tpu.memory_space<vmem>>
      %dma_start3A_69 = arith.constant 0 : i32
      %dma_start3A_70 = arith.constant 0 : i32
      %dma_start3A_71 = tpu.memref_slice %arg2[%dma_start3A_69, %dma_start3A_70] : memref<10240x128xf32, #tpu.memory_space<hbm>> -> memref<10240x128xf32, #tpu.memory_space<hbm>>
      tpu.enqueue_indirect_dma source(%dma_start3A_71 : memref<10240x128xf32, #tpu.memory_space<hbm>>) target(%arg11 : memref<128x128xf32, #tpu.memory_space<vmem>>) offsets(%dma_start3A_68 : memref<128xi32, #tpu.memory_space<vmem>>) semaphore(%arg16 : memref<!tpu.dma_semaphore, #tpu.memory_space<semaphore_mem>>)
      "tpu.region"() ({
        %run_scoped3A = tpu.sem_alloc : memref<!tpu.dma_semaphore, #tpu.memory_space<semaphore_mem>>
        %dma_start3A_206 = arith.constant 384 : i32
        %dma_start3A_207 = tpu.memref_slice %arg9[%dma_start3A_206] : memref<1024xi32, #tpu.memory_space<vmem>> -> memref<128xi32, #tpu.memory_space<vmem>>
        %dma_start3A_208 = arith.constant 0 : i32
        %dma_start3A_209 = arith.constant 0 : i32
        %dma_start3A_210 = tpu.memref_slice %arg13[%dma_start3A_208, %dma_start3A_209] : memref<10240x128xf32, #tpu.memory_space<vmem_shared>> -> memref<10240x128xf32, #tpu.memory_space<vmem_shared>>
        tpu.enqueue_indirect_dma source(%arg12 : memref<128x128xf32, #tpu.memory_space<vmem>>) target(%dma_start3A_210 : memref<10240x128xf32, #tpu.memory_space<vmem_shared>>) offsets(%dma_start3A_207 : memref<128xi32, #tpu.memory_space<vmem>>) semaphore(%run_scoped3A : memref<!tpu.dma_semaphore, #tpu.memory_space<semaphore_mem>>) {add = true}
        %dma_wait3A_211 = arith.constant 384 : i32
        %dma_wait3A_212 = tpu.memref_slice %arg9[%dma_wait3A_211] : memref<1024xi32, #tpu.memory_space<vmem>> -> memref<128xi32, #tpu.memory_space<vmem>>
        %dma_wait3A_213 = arith.constant 0 : i32
        %dma_wait3A_214 = arith.constant 0 : i32
        %dma_wait3A_215 = tpu.memref_slice %arg13[%dma_wait3A_213, %dma_wait3A_214] : memref<10240x128xf32, #tpu.memory_space<vmem_shared>> -> memref<10240x128xf32, #tpu.memory_space<vmem_shared>>
        tpu.wait_indirect_dma semaphore(%run_scoped3A : memref<!tpu.dma_semaphore, #tpu.memory_space<semaphore_mem>>) src(%arg12 : memref<128x128xf32, #tpu.memory_space<vmem>>) dst(%dma_wait3A_215 : memref<10240x128xf32, #tpu.memory_space<vmem_shared>>)
        tpu.yield
      }) : () -> ()
      %dma_wait3A_72 = arith.constant 512 : i32
      %dma_wait3A_73 = tpu.memref_slice %arg7[%dma_wait3A_72] : memref<1024xi32, #tpu.memory_space<vmem>> -> memref<128xi32, #tpu.memory_space<vmem>>
      %dma_wait3A_74 = arith.constant 0 : i32
      %dma_wait3A_75 = arith.constant 0 : i32
      %dma_wait3A_76 = tpu.memref_slice %arg2[%dma_wait3A_74, %dma_wait3A_75] : memref<10240x128xf32, #tpu.memory_space<hbm>> -> memref<10240x128xf32, #tpu.memory_space<hbm>>
      tpu.wait_indirect_dma semaphore(%arg16 : memref<!tpu.dma_semaphore, #tpu.memory_space<semaphore_mem>>) src(%dma_wait3A_76 : memref<10240x128xf32, #tpu.memory_space<hbm>>) dst(%arg11 : memref<128x128xf32, #tpu.memory_space<vmem>>)
      %dma_start3A_77 = arith.constant 640 : i32
      %dma_start3A_78 = tpu.memref_slice %arg7[%dma_start3A_77] : memref<1024xi32, #tpu.memory_space<vmem>> -> memref<128xi32, #tpu.memory_space<vmem>>
      %dma_start3A_79 = arith.constant 0 : i32
      %dma_start3A_80 = arith.constant 0 : i32
      %dma_start3A_81 = tpu.memref_slice %arg2[%dma_start3A_79, %dma_start3A_80] : memref<10240x128xf32, #tpu.memory_space<hbm>> -> memref<10240x128xf32, #tpu.memory_space<hbm>>
      tpu.enqueue_indirect_dma source(%dma_start3A_81 : memref<10240x128xf32, #tpu.memory_space<hbm>>) target(%arg12 : memref<128x128xf32, #tpu.memory_space<vmem>>) offsets(%dma_start3A_78 : memref<128xi32, #tpu.memory_space<vmem>>) semaphore(%arg17 : memref<!tpu.dma_semaphore, #tpu.memory_space<semaphore_mem>>)
      "tpu.region"() ({
        %run_scoped3A = tpu.sem_alloc : memref<!tpu.dma_semaphore, #tpu.memory_space<semaphore_mem>>
        %dma_start3A_206 = arith.constant 512 : i32
        %dma_start3A_207 = tpu.memref_slice %arg9[%dma_start3A_206] : memref<1024xi32, #tpu.memory_space<vmem>> -> memref<128xi32, #tpu.memory_space<vmem>>
        %dma_start3A_208 = arith.constant 0 : i32
        %dma_start3A_209 = arith.constant 0 : i32
        %dma_start3A_210 = tpu.memref_slice %arg13[%dma_start3A_208, %dma_start3A_209] : memref<10240x128xf32, #tpu.memory_space<vmem_shared>> -> memref<10240x128xf32, #tpu.memory_space<vmem_shared>>
        tpu.enqueue_indirect_dma source(%arg11 : memref<128x128xf32, #tpu.memory_space<vmem>>) target(%dma_start3A_210 : memref<10240x128xf32, #tpu.memory_space<vmem_shared>>) offsets(%dma_start3A_207 : memref<128xi32, #tpu.memory_space<vmem>>) semaphore(%run_scoped3A : memref<!tpu.dma_semaphore, #tpu.memory_space<semaphore_mem>>) {add = true}
        %dma_wait3A_211 = arith.constant 512 : i32
        %dma_wait3A_212 = tpu.memref_slice %arg9[%dma_wait3A_211] : memref<1024xi32, #tpu.memory_space<vmem>> -> memref<128xi32, #tpu.memory_space<vmem>>
        %dma_wait3A_213 = arith.constant 0 : i32
        %dma_wait3A_214 = arith.constant 0 : i32
        %dma_wait3A_215 = tpu.memref_slice %arg13[%dma_wait3A_213, %dma_wait3A_214] : memref<10240x128xf32, #tpu.memory_space<vmem_shared>> -> memref<10240x128xf32, #tpu.memory_space<vmem_shared>>
        tpu.wait_indirect_dma semaphore(%run_scoped3A : memref<!tpu.dma_semaphore, #tpu.memory_space<semaphore_mem>>) src(%arg11 : memref<128x128xf32, #tpu.memory_space<vmem>>) dst(%dma_wait3A_215 : memref<10240x128xf32, #tpu.memory_space<vmem_shared>>)
        tpu.yield
      }) : () -> ()
      %dma_wait3A_82 = arith.constant 640 : i32
      %dma_wait3A_83 = tpu.memref_slice %arg7[%dma_wait3A_82] : memref<1024xi32, #tpu.memory_space<vmem>> -> memref<128xi32, #tpu.memory_space<vmem>>
      %dma_wait3A_84 = arith.constant 0 : i32
      %dma_wait3A_85 = arith.constant 0 : i32
      %dma_wait3A_86 = tpu.memref_slice %arg2[%dma_wait3A_84, %dma_wait3A_85] : memref<10240x128xf32, #tpu.memory_space<hbm>> -> memref<10240x128xf32, #tpu.memory_space<hbm>>
      tpu.wait_indirect_dma semaphore(%arg17 : memref<!tpu.dma_semaphore, #tpu.memory_space<semaphore_mem>>) src(%dma_wait3A_86 : memref<10240x128xf32, #tpu.memory_space<hbm>>) dst(%arg12 : memref<128x128xf32, #tpu.memory_space<vmem>>)
      %dma_start3A_87 = arith.constant 768 : i32
      %dma_start3A_88 = tpu.memref_slice %arg7[%dma_start3A_87] : memref<1024xi32, #tpu.memory_space<vmem>> -> memref<128xi32, #tpu.memory_space<vmem>>
      %dma_start3A_89 = arith.constant 0 : i32
      %dma_start3A_90 = arith.constant 0 : i32
      %dma_start3A_91 = tpu.memref_slice %arg2[%dma_start3A_89, %dma_start3A_90] : memref<10240x128xf32, #tpu.memory_space<hbm>> -> memref<10240x128xf32, #tpu.memory_space<hbm>>
      tpu.enqueue_indirect_dma source(%dma_start3A_91 : memref<10240x128xf32, #tpu.memory_space<hbm>>) target(%arg11 : memref<128x128xf32, #tpu.memory_space<vmem>>) offsets(%dma_start3A_88 : memref<128xi32, #tpu.memory_space<vmem>>) semaphore(%arg16 : memref<!tpu.dma_semaphore, #tpu.memory_space<semaphore_mem>>)
      "tpu.region"() ({
        %run_scoped3A = tpu.sem_alloc : memref<!tpu.dma_semaphore, #tpu.memory_space<semaphore_mem>>
        %dma_start3A_206 = arith.constant 640 : i32
        %dma_start3A_207 = tpu.memref_slice %arg9[%dma_start3A_206] : memref<1024xi32, #tpu.memory_space<vmem>> -> memref<128xi32, #tpu.memory_space<vmem>>
        %dma_start3A_208 = arith.constant 0 : i32
        %dma_start3A_209 = arith.constant 0 : i32
        %dma_start3A_210 = tpu.memref_slice %arg13[%dma_start3A_208, %dma_start3A_209] : memref<10240x128xf32, #tpu.memory_space<vmem_shared>> -> memref<10240x128xf32, #tpu.memory_space<vmem_shared>>
        tpu.enqueue_indirect_dma source(%arg12 : memref<128x128xf32, #tpu.memory_space<vmem>>) target(%dma_start3A_210 : memref<10240x128xf32, #tpu.memory_space<vmem_shared>>) offsets(%dma_start3A_207 : memref<128xi32, #tpu.memory_space<vmem>>) semaphore(%run_scoped3A : memref<!tpu.dma_semaphore, #tpu.memory_space<semaphore_mem>>) {add = true}
        %dma_wait3A_211 = arith.constant 640 : i32
        %dma_wait3A_212 = tpu.memref_slice %arg9[%dma_wait3A_211] : memref<1024xi32, #tpu.memory_space<vmem>> -> memref<128xi32, #tpu.memory_space<vmem>>
        %dma_wait3A_213 = arith.constant 0 : i32
        %dma_wait3A_214 = arith.constant 0 : i32
        %dma_wait3A_215 = tpu.memref_slice %arg13[%dma_wait3A_213, %dma_wait3A_214] : memref<10240x128xf32, #tpu.memory_space<vmem_shared>> -> memref<10240x128xf32, #tpu.memory_space<vmem_shared>>
        tpu.wait_indirect_dma semaphore(%run_scoped3A : memref<!tpu.dma_semaphore, #tpu.memory_space<semaphore_mem>>) src(%arg12 : memref<128x128xf32, #tpu.memory_space<vmem>>) dst(%dma_wait3A_215 : memref<10240x128xf32, #tpu.memory_space<vmem_shared>>)
        tpu.yield
      }) : () -> ()
      %dma_wait3A_92 = arith.constant 768 : i32
      %dma_wait3A_93 = tpu.memref_slice %arg7[%dma_wait3A_92] : memref<1024xi32, #tpu.memory_space<vmem>> -> memref<128xi32, #tpu.memory_space<vmem>>
      %dma_wait3A_94 = arith.constant 0 : i32
      %dma_wait3A_95 = arith.constant 0 : i32
      %dma_wait3A_96 = tpu.memref_slice %arg2[%dma_wait3A_94, %dma_wait3A_95] : memref<10240x128xf32, #tpu.memory_space<hbm>> -> memref<10240x128xf32, #tpu.memory_space<hbm>>
      tpu.wait_indirect_dma semaphore(%arg16 : memref<!tpu.dma_semaphore, #tpu.memory_space<semaphore_mem>>) src(%dma_wait3A_96 : memref<10240x128xf32, #tpu.memory_space<hbm>>) dst(%arg11 : memref<128x128xf32, #tpu.memory_space<vmem>>)
      %dma_start3A_97 = arith.constant 896 : i32
      %dma_start3A_98 = tpu.memref_slice %arg7[%dma_start3A_97] : memref<1024xi32, #tpu.memory_space<vmem>> -> memref<128xi32, #tpu.memory_space<vmem>>
      %dma_start3A_99 = arith.constant 0 : i32
      %dma_start3A_100 = arith.constant 0 : i32
      %dma_start3A_101 = tpu.memref_slice %arg2[%dma_start3A_99, %dma_start3A_100] : memref<10240x128xf32, #tpu.memory_space<hbm>> -> memref<10240x128xf32, #tpu.memory_space<hbm>>
      tpu.enqueue_indirect_dma source(%dma_start3A_101 : memref<10240x128xf32, #tpu.memory_space<hbm>>) target(%arg12 : memref<128x128xf32, #tpu.memory_space<vmem>>) offsets(%dma_start3A_98 : memref<128xi32, #tpu.memory_space<vmem>>) semaphore(%arg17 : memref<!tpu.dma_semaphore, #tpu.memory_space<semaphore_mem>>)
      "tpu.region"() ({
        %run_scoped3A = tpu.sem_alloc : memref<!tpu.dma_semaphore, #tpu.memory_space<semaphore_mem>>
        %dma_start3A_206 = arith.constant 768 : i32
        %dma_start3A_207 = tpu.memref_slice %arg9[%dma_start3A_206] : memref<1024xi32, #tpu.memory_space<vmem>> -> memref<128xi32, #tpu.memory_space<vmem>>
        %dma_start3A_208 = arith.constant 0 : i32
        %dma_start3A_209 = arith.constant 0 : i32
        %dma_start3A_210 = tpu.memref_slice %arg13[%dma_start3A_208, %dma_start3A_209] : memref<10240x128xf32, #tpu.memory_space<vmem_shared>> -> memref<10240x128xf32, #tpu.memory_space<vmem_shared>>
        tpu.enqueue_indirect_dma source(%arg11 : memref<128x128xf32, #tpu.memory_space<vmem>>) target(%dma_start3A_210 : memref<10240x128xf32, #tpu.memory_space<vmem_shared>>) offsets(%dma_start3A_207 : memref<128xi32, #tpu.memory_space<vmem>>) semaphore(%run_scoped3A : memref<!tpu.dma_semaphore, #tpu.memory_space<semaphore_mem>>) {add = true}
        %dma_wait3A_211 = arith.constant 768 : i32
        %dma_wait3A_212 = tpu.memref_slice %arg9[%dma_wait3A_211] : memref<1024xi32, #tpu.memory_space<vmem>> -> memref<128xi32, #tpu.memory_space<vmem>>
        %dma_wait3A_213 = arith.constant 0 : i32
        %dma_wait3A_214 = arith.constant 0 : i32
        %dma_wait3A_215 = tpu.memref_slice %arg13[%dma_wait3A_213, %dma_wait3A_214] : memref<10240x128xf32, #tpu.memory_space<vmem_shared>> -> memref<10240x128xf32, #tpu.memory_space<vmem_shared>>
        tpu.wait_indirect_dma semaphore(%run_scoped3A : memref<!tpu.dma_semaphore, #tpu.memory_space<semaphore_mem>>) src(%arg11 : memref<128x128xf32, #tpu.memory_space<vmem>>) dst(%dma_wait3A_215 : memref<10240x128xf32, #tpu.memory_space<vmem_shared>>)
        tpu.yield
      }) : () -> ()
      %dma_wait3A_102 = arith.constant 896 : i32
      %dma_wait3A_103 = tpu.memref_slice %arg7[%dma_wait3A_102] : memref<1024xi32, #tpu.memory_space<vmem>> -> memref<128xi32, #tpu.memory_space<vmem>>
      %dma_wait3A_104 = arith.constant 0 : i32
      %dma_wait3A_105 = arith.constant 0 : i32
      %dma_wait3A_106 = tpu.memref_slice %arg2[%dma_wait3A_104, %dma_wait3A_105] : memref<10240x128xf32, #tpu.memory_space<hbm>> -> memref<10240x128xf32, #tpu.memory_space<hbm>>
      tpu.wait_indirect_dma semaphore(%arg17 : memref<!tpu.dma_semaphore, #tpu.memory_space<semaphore_mem>>) src(%dma_wait3A_106 : memref<10240x128xf32, #tpu.memory_space<hbm>>) dst(%arg12 : memref<128x128xf32, #tpu.memory_space<vmem>>)
      %lt3A_107 = arith.constant 9 : i32
      %lt3A_108 = arith.cmpi slt, %add3A_25, %lt3A_107 : i32
      %convert_element_type3A_109 = arith.extui %lt3A_108 : i1 to i32
      %cond3A_110 = arith.constant 0 : i32
      %cond3A_111 = arith.cmpi ne, %convert_element_type3A_109, %cond3A_110 : i32
      scf.if %cond3A_111 {
        %dma_wait3A_206 = tpu.memref_slice %arg3[%add3A_30] : memref<327680xi32, #tpu.memory_space<hbm>> -> memref<1024xi32, #tpu.memory_space<hbm>>
        %dma_wait3A_207 = tpu.memref_slice %arg3[%add3A_30] : memref<327680xi32, #tpu.memory_space<hbm>> -> memref<1024xi32, #tpu.memory_space<hbm>>
        tpu.wait_dma2 semaphore(%arg15 : memref<!tpu.dma_semaphore, #tpu.memory_space<semaphore_mem>>) src(%dma_wait3A_207 : memref<1024xi32, #tpu.memory_space<hbm>>) dst(%arg8 : memref<1024xi32, #tpu.memory_space<vmem>>)
        %dma_wait3A_208 = tpu.memref_slice %arg4[%add3A_30] : memref<327680xi32, #tpu.memory_space<hbm>> -> memref<1024xi32, #tpu.memory_space<hbm>>
        %dma_wait3A_209 = tpu.memref_slice %arg4[%add3A_30] : memref<327680xi32, #tpu.memory_space<hbm>> -> memref<1024xi32, #tpu.memory_space<hbm>>
        tpu.wait_dma2 semaphore(%arg15 : memref<!tpu.dma_semaphore, #tpu.memory_space<semaphore_mem>>) src(%dma_wait3A_209 : memref<1024xi32, #tpu.memory_space<hbm>>) dst(%arg10 : memref<1024xi32, #tpu.memory_space<vmem>>)
        %dma_start3A_210 = arith.constant 0 : i32
        %dma_start3A_211 = tpu.memref_slice %arg8[%dma_start3A_210] : memref<1024xi32, #tpu.memory_space<vmem>> -> memref<128xi32, #tpu.memory_space<vmem>>
        %dma_start3A_212 = arith.constant 0 : i32
        %dma_start3A_213 = arith.constant 0 : i32
        %dma_start3A_214 = tpu.memref_slice %arg2[%dma_start3A_212, %dma_start3A_213] : memref<10240x128xf32, #tpu.memory_space<hbm>> -> memref<10240x128xf32, #tpu.memory_space<hbm>>
        tpu.enqueue_indirect_dma source(%dma_start3A_214 : memref<10240x128xf32, #tpu.memory_space<hbm>>) target(%arg11 : memref<128x128xf32, #tpu.memory_space<vmem>>) offsets(%dma_start3A_211 : memref<128xi32, #tpu.memory_space<vmem>>) semaphore(%arg16 : memref<!tpu.dma_semaphore, #tpu.memory_space<semaphore_mem>>)
      } else {
      }
      "tpu.region"() ({
        %run_scoped3A = tpu.sem_alloc : memref<!tpu.dma_semaphore, #tpu.memory_space<semaphore_mem>>
        %dma_start3A_206 = arith.constant 896 : i32
        %dma_start3A_207 = tpu.memref_slice %arg9[%dma_start3A_206] : memref<1024xi32, #tpu.memory_space<vmem>> -> memref<128xi32, #tpu.memory_space<vmem>>
        %dma_start3A_208 = arith.constant 0 : i32
        %dma_start3A_209 = arith.constant 0 : i32
        %dma_start3A_210 = tpu.memref_slice %arg13[%dma_start3A_208, %dma_start3A_209] : memref<10240x128xf32, #tpu.memory_space<vmem_shared>> -> memref<10240x128xf32, #tpu.memory_space<vmem_shared>>
        tpu.enqueue_indirect_dma source(%arg12 : memref<128x128xf32, #tpu.memory_space<vmem>>) target(%dma_start3A_210 : memref<10240x128xf32, #tpu.memory_space<vmem_shared>>) offsets(%dma_start3A_207 : memref<128xi32, #tpu.memory_space<vmem>>) semaphore(%run_scoped3A : memref<!tpu.dma_semaphore, #tpu.memory_space<semaphore_mem>>) {add = true}
        %dma_wait3A_211 = arith.constant 896 : i32
        %dma_wait3A_212 = tpu.memref_slice %arg9[%dma_wait3A_211] : memref<1024xi32, #tpu.memory_space<vmem>> -> memref<128xi32, #tpu.memory_space<vmem>>
        %dma_wait3A_213 = arith.constant 0 : i32
        %dma_wait3A_214 = arith.constant 0 : i32
        %dma_wait3A_215 = tpu.memref_slice %arg13[%dma_wait3A_213, %dma_wait3A_214] : memref<10240x128xf32, #tpu.memory_space<vmem_shared>> -> memref<10240x128xf32, #tpu.memory_space<vmem_shared>>
        tpu.wait_indirect_dma semaphore(%run_scoped3A : memref<!tpu.dma_semaphore, #tpu.memory_space<semaphore_mem>>) src(%arg12 : memref<128x128xf32, #tpu.memory_space<vmem>>) dst(%dma_wait3A_215 : memref<10240x128xf32, #tpu.memory_space<vmem_shared>>)
        tpu.yield
      }) : () -> ()
      %mul3A_112 = arith.constant 2 : i32
      %mul3A_113 = arith.muli %mul3A_112, %scan3A_21 : i32
      %add3A_114 = arith.constant 1 : i32
      %add3A_115 = arith.addi %mul3A_113, %add3A_114 : i32
      %add3A_116 = arith.constant 1 : i32
      %add3A_117 = arith.addi %add3A_115, %add3A_116 : i32
      %mul3A_118 = arith.constant 1024 : i32
      %mul3A_119 = arith.muli %add3A_117, %mul3A_118 : i32
      %add3A_120 = arith.addi %mul3A_2, %mul3A_119 : i32
      %dma_wait3A_121 = arith.constant 0 : i32
      %dma_wait3A_122 = tpu.memref_slice %arg8[%dma_wait3A_121] : memref<1024xi32, #tpu.memory_space<vmem>> -> memref<128xi32, #tpu.memory_space<vmem>>
      %dma_wait3A_123 = arith.constant 0 : i32
      %dma_wait3A_124 = arith.constant 0 : i32
      %dma_wait3A_125 = tpu.memref_slice %arg2[%dma_wait3A_123, %dma_wait3A_124] : memref<10240x128xf32, #tpu.memory_space<hbm>> -> memref<10240x128xf32, #tpu.memory_space<hbm>>
      tpu.wait_indirect_dma semaphore(%arg16 : memref<!tpu.dma_semaphore, #tpu.memory_space<semaphore_mem>>) src(%dma_wait3A_125 : memref<10240x128xf32, #tpu.memory_space<hbm>>) dst(%arg11 : memref<128x128xf32, #tpu.memory_space<vmem>>)
      %dma_start3A_126 = arith.constant 128 : i32
      %dma_start3A_127 = tpu.memref_slice %arg8[%dma_start3A_126] : memref<1024xi32, #tpu.memory_space<vmem>> -> memref<128xi32, #tpu.memory_space<vmem>>
      %dma_start3A_128 = arith.constant 0 : i32
      %dma_start3A_129 = arith.constant 0 : i32
      %dma_start3A_130 = tpu.memref_slice %arg2[%dma_start3A_128, %dma_start3A_129] : memref<10240x128xf32, #tpu.memory_space<hbm>> -> memref<10240x128xf32, #tpu.memory_space<hbm>>
      tpu.enqueue_indirect_dma source(%dma_start3A_130 : memref<10240x128xf32, #tpu.memory_space<hbm>>) target(%arg12 : memref<128x128xf32, #tpu.memory_space<vmem>>) offsets(%dma_start3A_127 : memref<128xi32, #tpu.memory_space<vmem>>) semaphore(%arg17 : memref<!tpu.dma_semaphore, #tpu.memory_space<semaphore_mem>>)
      "tpu.region"() ({
        %run_scoped3A = tpu.sem_alloc : memref<!tpu.dma_semaphore, #tpu.memory_space<semaphore_mem>>
        %dma_start3A_206 = arith.constant 0 : i32
        %dma_start3A_207 = tpu.memref_slice %arg10[%dma_start3A_206] : memref<1024xi32, #tpu.memory_space<vmem>> -> memref<128xi32, #tpu.memory_space<vmem>>
        %dma_start3A_208 = arith.constant 0 : i32
        %dma_start3A_209 = arith.constant 0 : i32
        %dma_start3A_210 = tpu.memref_slice %arg13[%dma_start3A_208, %dma_start3A_209] : memref<10240x128xf32, #tpu.memory_space<vmem_shared>> -> memref<10240x128xf32, #tpu.memory_space<vmem_shared>>
        tpu.enqueue_indirect_dma source(%arg11 : memref<128x128xf32, #tpu.memory_space<vmem>>) target(%dma_start3A_210 : memref<10240x128xf32, #tpu.memory_space<vmem_shared>>) offsets(%dma_start3A_207 : memref<128xi32, #tpu.memory_space<vmem>>) semaphore(%run_scoped3A : memref<!tpu.dma_semaphore, #tpu.memory_space<semaphore_mem>>) {add = true}
        %dma_wait3A_211 = arith.constant 0 : i32
        %dma_wait3A_212 = tpu.memref_slice %arg10[%dma_wait3A_211] : memref<1024xi32, #tpu.memory_space<vmem>> -> memref<128xi32, #tpu.memory_space<vmem>>
        %dma_wait3A_213 = arith.constant 0 : i32
        %dma_wait3A_214 = arith.constant 0 : i32
        %dma_wait3A_215 = tpu.memref_slice %arg13[%dma_wait3A_213, %dma_wait3A_214] : memref<10240x128xf32, #tpu.memory_space<vmem_shared>> -> memref<10240x128xf32, #tpu.memory_space<vmem_shared>>
        tpu.wait_indirect_dma semaphore(%run_scoped3A : memref<!tpu.dma_semaphore, #tpu.memory_space<semaphore_mem>>) src(%arg11 : memref<128x128xf32, #tpu.memory_space<vmem>>) dst(%dma_wait3A_215 : memref<10240x128xf32, #tpu.memory_space<vmem_shared>>)
        tpu.yield
      }) : () -> ()
      %dma_wait3A_131 = arith.constant 128 : i32
      %dma_wait3A_132 = tpu.memref_slice %arg8[%dma_wait3A_131] : memref<1024xi32, #tpu.memory_space<vmem>> -> memref<128xi32, #tpu.memory_space<vmem>>
      %dma_wait3A_133 = arith.constant 0 : i32
      %dma_wait3A_134 = arith.constant 0 : i32
      %dma_wait3A_135 = tpu.memref_slice %arg2[%dma_wait3A_133, %dma_wait3A_134] : memref<10240x128xf32, #tpu.memory_space<hbm>> -> memref<10240x128xf32, #tpu.memory_space<hbm>>
      tpu.wait_indirect_dma semaphore(%arg17 : memref<!tpu.dma_semaphore, #tpu.memory_space<semaphore_mem>>) src(%dma_wait3A_135 : memref<10240x128xf32, #tpu.memory_space<hbm>>) dst(%arg12 : memref<128x128xf32, #tpu.memory_space<vmem>>)
      %dma_start3A_136 = arith.constant 256 : i32
      %dma_start3A_137 = tpu.memref_slice %arg8[%dma_start3A_136] : memref<1024xi32, #tpu.memory_space<vmem>> -> memref<128xi32, #tpu.memory_space<vmem>>
      %dma_start3A_138 = arith.constant 0 : i32
      %dma_start3A_139 = arith.constant 0 : i32
      %dma_start3A_140 = tpu.memref_slice %arg2[%dma_start3A_138, %dma_start3A_139] : memref<10240x128xf32, #tpu.memory_space<hbm>> -> memref<10240x128xf32, #tpu.memory_space<hbm>>
      tpu.enqueue_indirect_dma source(%dma_start3A_140 : memref<10240x128xf32, #tpu.memory_space<hbm>>) target(%arg11 : memref<128x128xf32, #tpu.memory_space<vmem>>) offsets(%dma_start3A_137 : memref<128xi32, #tpu.memory_space<vmem>>) semaphore(%arg16 : memref<!tpu.dma_semaphore, #tpu.memory_space<semaphore_mem>>)
      "tpu.region"() ({
        %run_scoped3A = tpu.sem_alloc : memref<!tpu.dma_semaphore, #tpu.memory_space<semaphore_mem>>
        %dma_start3A_206 = arith.constant 128 : i32
        %dma_start3A_207 = tpu.memref_slice %arg10[%dma_start3A_206] : memref<1024xi32, #tpu.memory_space<vmem>> -> memref<128xi32, #tpu.memory_space<vmem>>
        %dma_start3A_208 = arith.constant 0 : i32
        %dma_start3A_209 = arith.constant 0 : i32
        %dma_start3A_210 = tpu.memref_slice %arg13[%dma_start3A_208, %dma_start3A_209] : memref<10240x128xf32, #tpu.memory_space<vmem_shared>> -> memref<10240x128xf32, #tpu.memory_space<vmem_shared>>
        tpu.enqueue_indirect_dma source(%arg12 : memref<128x128xf32, #tpu.memory_space<vmem>>) target(%dma_start3A_210 : memref<10240x128xf32, #tpu.memory_space<vmem_shared>>) offsets(%dma_start3A_207 : memref<128xi32, #tpu.memory_space<vmem>>) semaphore(%run_scoped3A : memref<!tpu.dma_semaphore, #tpu.memory_space<semaphore_mem>>) {add = true}
        %dma_wait3A_211 = arith.constant 128 : i32
        %dma_wait3A_212 = tpu.memref_slice %arg10[%dma_wait3A_211] : memref<1024xi32, #tpu.memory_space<vmem>> -> memref<128xi32, #tpu.memory_space<vmem>>
        %dma_wait3A_213 = arith.constant 0 : i32
        %dma_wait3A_214 = arith.constant 0 : i32
        %dma_wait3A_215 = tpu.memref_slice %arg13[%dma_wait3A_213, %dma_wait3A_214] : memref<10240x128xf32, #tpu.memory_space<vmem_shared>> -> memref<10240x128xf32, #tpu.memory_space<vmem_shared>>
        tpu.wait_indirect_dma semaphore(%run_scoped3A : memref<!tpu.dma_semaphore, #tpu.memory_space<semaphore_mem>>) src(%arg12 : memref<128x128xf32, #tpu.memory_space<vmem>>) dst(%dma_wait3A_215 : memref<10240x128xf32, #tpu.memory_space<vmem_shared>>)
        tpu.yield
      }) : () -> ()
      %dma_wait3A_141 = arith.constant 256 : i32
      %dma_wait3A_142 = tpu.memref_slice %arg8[%dma_wait3A_141] : memref<1024xi32, #tpu.memory_space<vmem>> -> memref<128xi32, #tpu.memory_space<vmem>>
      %dma_wait3A_143 = arith.constant 0 : i32
      %dma_wait3A_144 = arith.constant 0 : i32
      %dma_wait3A_145 = tpu.memref_slice %arg2[%dma_wait3A_143, %dma_wait3A_144] : memref<10240x128xf32, #tpu.memory_space<hbm>> -> memref<10240x128xf32, #tpu.memory_space<hbm>>
      tpu.wait_indirect_dma semaphore(%arg16 : memref<!tpu.dma_semaphore, #tpu.memory_space<semaphore_mem>>) src(%dma_wait3A_145 : memref<10240x128xf32, #tpu.memory_space<hbm>>) dst(%arg11 : memref<128x128xf32, #tpu.memory_space<vmem>>)
      %dma_start3A_146 = arith.constant 384 : i32
      %dma_start3A_147 = tpu.memref_slice %arg8[%dma_start3A_146] : memref<1024xi32, #tpu.memory_space<vmem>> -> memref<128xi32, #tpu.memory_space<vmem>>
      %dma_start3A_148 = arith.constant 0 : i32
      %dma_start3A_149 = arith.constant 0 : i32
      %dma_start3A_150 = tpu.memref_slice %arg2[%dma_start3A_148, %dma_start3A_149] : memref<10240x128xf32, #tpu.memory_space<hbm>> -> memref<10240x128xf32, #tpu.memory_space<hbm>>
      tpu.enqueue_indirect_dma source(%dma_start3A_150 : memref<10240x128xf32, #tpu.memory_space<hbm>>) target(%arg12 : memref<128x128xf32, #tpu.memory_space<vmem>>) offsets(%dma_start3A_147 : memref<128xi32, #tpu.memory_space<vmem>>) semaphore(%arg17 : memref<!tpu.dma_semaphore, #tpu.memory_space<semaphore_mem>>)
      "tpu.region"() ({
        %run_scoped3A = tpu.sem_alloc : memref<!tpu.dma_semaphore, #tpu.memory_space<semaphore_mem>>
        %dma_start3A_206 = arith.constant 256 : i32
        %dma_start3A_207 = tpu.memref_slice %arg10[%dma_start3A_206] : memref<1024xi32, #tpu.memory_space<vmem>> -> memref<128xi32, #tpu.memory_space<vmem>>
        %dma_start3A_208 = arith.constant 0 : i32
        %dma_start3A_209 = arith.constant 0 : i32
        %dma_start3A_210 = tpu.memref_slice %arg13[%dma_start3A_208, %dma_start3A_209] : memref<10240x128xf32, #tpu.memory_space<vmem_shared>> -> memref<10240x128xf32, #tpu.memory_space<vmem_shared>>
        tpu.enqueue_indirect_dma source(%arg11 : memref<128x128xf32, #tpu.memory_space<vmem>>) target(%dma_start3A_210 : memref<10240x128xf32, #tpu.memory_space<vmem_shared>>) offsets(%dma_start3A_207 : memref<128xi32, #tpu.memory_space<vmem>>) semaphore(%run_scoped3A : memref<!tpu.dma_semaphore, #tpu.memory_space<semaphore_mem>>) {add = true}
        %dma_wait3A_211 = arith.constant 256 : i32
        %dma_wait3A_212 = tpu.memref_slice %arg10[%dma_wait3A_211] : memref<1024xi32, #tpu.memory_space<vmem>> -> memref<128xi32, #tpu.memory_space<vmem>>
        %dma_wait3A_213 = arith.constant 0 : i32
        %dma_wait3A_214 = arith.constant 0 : i32
        %dma_wait3A_215 = tpu.memref_slice %arg13[%dma_wait3A_213, %dma_wait3A_214] : memref<10240x128xf32, #tpu.memory_space<vmem_shared>> -> memref<10240x128xf32, #tpu.memory_space<vmem_shared>>
        tpu.wait_indirect_dma semaphore(%run_scoped3A : memref<!tpu.dma_semaphore, #tpu.memory_space<semaphore_mem>>) src(%arg11 : memref<128x128xf32, #tpu.memory_space<vmem>>) dst(%dma_wait3A_215 : memref<10240x128xf32, #tpu.memory_space<vmem_shared>>)
        tpu.yield
      }) : () -> ()
      %lt3A_151 = arith.constant 9 : i32
      %lt3A_152 = arith.cmpi slt, %add3A_115, %lt3A_151 : i32
      %convert_element_type3A_153 = arith.extui %lt3A_152 : i1 to i32
      %cond3A_154 = arith.constant 0 : i32
      %cond3A_155 = arith.cmpi ne, %convert_element_type3A_153, %cond3A_154 : i32
      scf.if %cond3A_155 {
        %dma_start3A_206 = tpu.memref_slice %arg3[%add3A_120] : memref<327680xi32, #tpu.memory_space<hbm>> -> memref<1024xi32, #tpu.memory_space<hbm>>
        %dma_start3A_207 = tpu.memref_slice %arg3[%add3A_120] : memref<327680xi32, #tpu.memory_space<hbm>> -> memref<1024xi32, #tpu.memory_space<hbm>>
        tpu.enqueue_dma source(%dma_start3A_207 : memref<1024xi32, #tpu.memory_space<hbm>>) target(%arg7 : memref<1024xi32, #tpu.memory_space<vmem>>) target_semaphore(%arg14 : memref<!tpu.dma_semaphore, #tpu.memory_space<semaphore_mem>>)
        %dma_start3A_208 = tpu.memref_slice %arg4[%add3A_120] : memref<327680xi32, #tpu.memory_space<hbm>> -> memref<1024xi32, #tpu.memory_space<hbm>>
        %dma_start3A_209 = tpu.memref_slice %arg4[%add3A_120] : memref<327680xi32, #tpu.memory_space<hbm>> -> memref<1024xi32, #tpu.memory_space<hbm>>
        tpu.enqueue_dma source(%dma_start3A_209 : memref<1024xi32, #tpu.memory_space<hbm>>) target(%arg9 : memref<1024xi32, #tpu.memory_space<vmem>>) target_semaphore(%arg14 : memref<!tpu.dma_semaphore, #tpu.memory_space<semaphore_mem>>)
      } else {
      }
      %dma_wait3A_156 = arith.constant 384 : i32
      %dma_wait3A_157 = tpu.memref_slice %arg8[%dma_wait3A_156] : memref<1024xi32, #tpu.memory_space<vmem>> -> memref<128xi32, #tpu.memory_space<vmem>>
      %dma_wait3A_158 = arith.constant 0 : i32
      %dma_wait3A_159 = arith.constant 0 : i32
      %dma_wait3A_160 = tpu.memref_slice %arg2[%dma_wait3A_158, %dma_wait3A_159] : memref<10240x128xf32, #tpu.memory_space<hbm>> -> memref<10240x128xf32, #tpu.memory_space<hbm>>
      tpu.wait_indirect_dma semaphore(%arg17 : memref<!tpu.dma_semaphore, #tpu.memory_space<semaphore_mem>>) src(%dma_wait3A_160 : memref<10240x128xf32, #tpu.memory_space<hbm>>) dst(%arg12 : memref<128x128xf32, #tpu.memory_space<vmem>>)
      %dma_start3A_161 = arith.constant 512 : i32
      %dma_start3A_162 = tpu.memref_slice %arg8[%dma_start3A_161] : memref<1024xi32, #tpu.memory_space<vmem>> -> memref<128xi32, #tpu.memory_space<vmem>>
      %dma_start3A_163 = arith.constant 0 : i32
      %dma_start3A_164 = arith.constant 0 : i32
      %dma_start3A_165 = tpu.memref_slice %arg2[%dma_start3A_163, %dma_start3A_164] : memref<10240x128xf32, #tpu.memory_space<hbm>> -> memref<10240x128xf32, #tpu.memory_space<hbm>>
      tpu.enqueue_indirect_dma source(%dma_start3A_165 : memref<10240x128xf32, #tpu.memory_space<hbm>>) target(%arg11 : memref<128x128xf32, #tpu.memory_space<vmem>>) offsets(%dma_start3A_162 : memref<128xi32, #tpu.memory_space<vmem>>) semaphore(%arg16 : memref<!tpu.dma_semaphore, #tpu.memory_space<semaphore_mem>>)
      "tpu.region"() ({
        %run_scoped3A = tpu.sem_alloc : memref<!tpu.dma_semaphore, #tpu.memory_space<semaphore_mem>>
        %dma_start3A_206 = arith.constant 384 : i32
        %dma_start3A_207 = tpu.memref_slice %arg10[%dma_start3A_206] : memref<1024xi32, #tpu.memory_space<vmem>> -> memref<128xi32, #tpu.memory_space<vmem>>
        %dma_start3A_208 = arith.constant 0 : i32
        %dma_start3A_209 = arith.constant 0 : i32
        %dma_start3A_210 = tpu.memref_slice %arg13[%dma_start3A_208, %dma_start3A_209] : memref<10240x128xf32, #tpu.memory_space<vmem_shared>> -> memref<10240x128xf32, #tpu.memory_space<vmem_shared>>
        tpu.enqueue_indirect_dma source(%arg12 : memref<128x128xf32, #tpu.memory_space<vmem>>) target(%dma_start3A_210 : memref<10240x128xf32, #tpu.memory_space<vmem_shared>>) offsets(%dma_start3A_207 : memref<128xi32, #tpu.memory_space<vmem>>) semaphore(%run_scoped3A : memref<!tpu.dma_semaphore, #tpu.memory_space<semaphore_mem>>) {add = true}
        %dma_wait3A_211 = arith.constant 384 : i32
        %dma_wait3A_212 = tpu.memref_slice %arg10[%dma_wait3A_211] : memref<1024xi32, #tpu.memory_space<vmem>> -> memref<128xi32, #tpu.memory_space<vmem>>
        %dma_wait3A_213 = arith.constant 0 : i32
        %dma_wait3A_214 = arith.constant 0 : i32
        %dma_wait3A_215 = tpu.memref_slice %arg13[%dma_wait3A_213, %dma_wait3A_214] : memref<10240x128xf32, #tpu.memory_space<vmem_shared>> -> memref<10240x128xf32, #tpu.memory_space<vmem_shared>>
        tpu.wait_indirect_dma semaphore(%run_scoped3A : memref<!tpu.dma_semaphore, #tpu.memory_space<semaphore_mem>>) src(%arg12 : memref<128x128xf32, #tpu.memory_space<vmem>>) dst(%dma_wait3A_215 : memref<10240x128xf32, #tpu.memory_space<vmem_shared>>)
        tpu.yield
      }) : () -> ()
      %dma_wait3A_166 = arith.constant 512 : i32
      %dma_wait3A_167 = tpu.memref_slice %arg8[%dma_wait3A_166] : memref<1024xi32, #tpu.memory_space<vmem>> -> memref<128xi32, #tpu.memory_space<vmem>>
      %dma_wait3A_168 = arith.constant 0 : i32
      %dma_wait3A_169 = arith.constant 0 : i32
      %dma_wait3A_170 = tpu.memref_slice %arg2[%dma_wait3A_168, %dma_wait3A_169] : memref<10240x128xf32, #tpu.memory_space<hbm>> -> memref<10240x128xf32, #tpu.memory_space<hbm>>
      tpu.wait_indirect_dma semaphore(%arg16 : memref<!tpu.dma_semaphore, #tpu.memory_space<semaphore_mem>>) src(%dma_wait3A_170 : memref<10240x128xf32, #tpu.memory_space<hbm>>) dst(%arg11 : memref<128x128xf32, #tpu.memory_space<vmem>>)
      %dma_start3A_171 = arith.constant 640 : i32
      %dma_start3A_172 = tpu.memref_slice %arg8[%dma_start3A_171] : memref<1024xi32, #tpu.memory_space<vmem>> -> memref<128xi32, #tpu.memory_space<vmem>>
      %dma_start3A_173 = arith.constant 0 : i32
      %dma_start3A_174 = arith.constant 0 : i32
      %dma_start3A_175 = tpu.memref_slice %arg2[%dma_start3A_173, %dma_start3A_174] : memref<10240x128xf32, #tpu.memory_space<hbm>> -> memref<10240x128xf32, #tpu.memory_space<hbm>>
      tpu.enqueue_indirect_dma source(%dma_start3A_175 : memref<10240x128xf32, #tpu.memory_space<hbm>>) target(%arg12 : memref<128x128xf32, #tpu.memory_space<vmem>>) offsets(%dma_start3A_172 : memref<128xi32, #tpu.memory_space<vmem>>) semaphore(%arg17 : memref<!tpu.dma_semaphore, #tpu.memory_space<semaphore_mem>>)
      "tpu.region"() ({
        %run_scoped3A = tpu.sem_alloc : memref<!tpu.dma_semaphore, #tpu.memory_space<semaphore_mem>>
        %dma_start3A_206 = arith.constant 512 : i32
        %dma_start3A_207 = tpu.memref_slice %arg10[%dma_start3A_206] : memref<1024xi32, #tpu.memory_space<vmem>> -> memref<128xi32, #tpu.memory_space<vmem>>
        %dma_start3A_208 = arith.constant 0 : i32
        %dma_start3A_209 = arith.constant 0 : i32
        %dma_start3A_210 = tpu.memref_slice %arg13[%dma_start3A_208, %dma_start3A_209] : memref<10240x128xf32, #tpu.memory_space<vmem_shared>> -> memref<10240x128xf32, #tpu.memory_space<vmem_shared>>
        tpu.enqueue_indirect_dma source(%arg11 : memref<128x128xf32, #tpu.memory_space<vmem>>) target(%dma_start3A_210 : memref<10240x128xf32, #tpu.memory_space<vmem_shared>>) offsets(%dma_start3A_207 : memref<128xi32, #tpu.memory_space<vmem>>) semaphore(%run_scoped3A : memref<!tpu.dma_semaphore, #tpu.memory_space<semaphore_mem>>) {add = true}
        %dma_wait3A_211 = arith.constant 512 : i32
        %dma_wait3A_212 = tpu.memref_slice %arg10[%dma_wait3A_211] : memref<1024xi32, #tpu.memory_space<vmem>> -> memref<128xi32, #tpu.memory_space<vmem>>
        %dma_wait3A_213 = arith.constant 0 : i32
        %dma_wait3A_214 = arith.constant 0 : i32
        %dma_wait3A_215 = tpu.memref_slice %arg13[%dma_wait3A_213, %dma_wait3A_214] : memref<10240x128xf32, #tpu.memory_space<vmem_shared>> -> memref<10240x128xf32, #tpu.memory_space<vmem_shared>>
        tpu.wait_indirect_dma semaphore(%run_scoped3A : memref<!tpu.dma_semaphore, #tpu.memory_space<semaphore_mem>>) src(%arg11 : memref<128x128xf32, #tpu.memory_space<vmem>>) dst(%dma_wait3A_215 : memref<10240x128xf32, #tpu.memory_space<vmem_shared>>)
        tpu.yield
      }) : () -> ()
      %dma_wait3A_176 = arith.constant 640 : i32
      %dma_wait3A_177 = tpu.memref_slice %arg8[%dma_wait3A_176] : memref<1024xi32, #tpu.memory_space<vmem>> -> memref<128xi32, #tpu.memory_space<vmem>>
      %dma_wait3A_178 = arith.constant 0 : i32
      %dma_wait3A_179 = arith.constant 0 : i32
      %dma_wait3A_180 = tpu.memref_slice %arg2[%dma_wait3A_178, %dma_wait3A_179] : memref<10240x128xf32, #tpu.memory_space<hbm>> -> memref<10240x128xf32, #tpu.memory_space<hbm>>
      tpu.wait_indirect_dma semaphore(%arg17 : memref<!tpu.dma_semaphore, #tpu.memory_space<semaphore_mem>>) src(%dma_wait3A_180 : memref<10240x128xf32, #tpu.memory_space<hbm>>) dst(%arg12 : memref<128x128xf32, #tpu.memory_space<vmem>>)
      %dma_start3A_181 = arith.constant 768 : i32
      %dma_start3A_182 = tpu.memref_slice %arg8[%dma_start3A_181] : memref<1024xi32, #tpu.memory_space<vmem>> -> memref<128xi32, #tpu.memory_space<vmem>>
      %dma_start3A_183 = arith.constant 0 : i32
      %dma_start3A_184 = arith.constant 0 : i32
      %dma_start3A_185 = tpu.memref_slice %arg2[%dma_start3A_183, %dma_start3A_184] : memref<10240x128xf32, #tpu.memory_space<hbm>> -> memref<10240x128xf32, #tpu.memory_space<hbm>>
      tpu.enqueue_indirect_dma source(%dma_start3A_185 : memref<10240x128xf32, #tpu.memory_space<hbm>>) target(%arg11 : memref<128x128xf32, #tpu.memory_space<vmem>>) offsets(%dma_start3A_182 : memref<128xi32, #tpu.memory_space<vmem>>) semaphore(%arg16 : memref<!tpu.dma_semaphore, #tpu.memory_space<semaphore_mem>>)
      "tpu.region"() ({
        %run_scoped3A = tpu.sem_alloc : memref<!tpu.dma_semaphore, #tpu.memory_space<semaphore_mem>>
        %dma_start3A_206 = arith.constant 640 : i32
        %dma_start3A_207 = tpu.memref_slice %arg10[%dma_start3A_206] : memref<1024xi32, #tpu.memory_space<vmem>> -> memref<128xi32, #tpu.memory_space<vmem>>
        %dma_start3A_208 = arith.constant 0 : i32
        %dma_start3A_209 = arith.constant 0 : i32
        %dma_start3A_210 = tpu.memref_slice %arg13[%dma_start3A_208, %dma_start3A_209] : memref<10240x128xf32, #tpu.memory_space<vmem_shared>> -> memref<10240x128xf32, #tpu.memory_space<vmem_shared>>
        tpu.enqueue_indirect_dma source(%arg12 : memref<128x128xf32, #tpu.memory_space<vmem>>) target(%dma_start3A_210 : memref<10240x128xf32, #tpu.memory_space<vmem_shared>>) offsets(%dma_start3A_207 : memref<128xi32, #tpu.memory_space<vmem>>) semaphore(%run_scoped3A : memref<!tpu.dma_semaphore, #tpu.memory_space<semaphore_mem>>) {add = true}
        %dma_wait3A_211 = arith.constant 640 : i32
        %dma_wait3A_212 = tpu.memref_slice %arg10[%dma_wait3A_211] : memref<1024xi32, #tpu.memory_space<vmem>> -> memref<128xi32, #tpu.memory_space<vmem>>
        %dma_wait3A_213 = arith.constant 0 : i32
        %dma_wait3A_214 = arith.constant 0 : i32
        %dma_wait3A_215 = tpu.memref_slice %arg13[%dma_wait3A_213, %dma_wait3A_214] : memref<10240x128xf32, #tpu.memory_space<vmem_shared>> -> memref<10240x128xf32, #tpu.memory_space<vmem_shared>>
        tpu.wait_indirect_dma semaphore(%run_scoped3A : memref<!tpu.dma_semaphore, #tpu.memory_space<semaphore_mem>>) src(%arg12 : memref<128x128xf32, #tpu.memory_space<vmem>>) dst(%dma_wait3A_215 : memref<10240x128xf32, #tpu.memory_space<vmem_shared>>)
        tpu.yield
      }) : () -> ()
      %dma_wait3A_186 = arith.constant 768 : i32
      %dma_wait3A_187 = tpu.memref_slice %arg8[%dma_wait3A_186] : memref<1024xi32, #tpu.memory_space<vmem>> -> memref<128xi32, #tpu.memory_space<vmem>>
      %dma_wait3A_188 = arith.constant 0 : i32
      %dma_wait3A_189 = arith.constant 0 : i32
      %dma_wait3A_190 = tpu.memref_slice %arg2[%dma_wait3A_188, %dma_wait3A_189] : memref<10240x128xf32, #tpu.memory_space<hbm>> -> memref<10240x128xf32, #tpu.memory_space<hbm>>
      tpu.wait_indirect_dma semaphore(%arg16 : memref<!tpu.dma_semaphore, #tpu.memory_space<semaphore_mem>>) src(%dma_wait3A_190 : memref<10240x128xf32, #tpu.memory_space<hbm>>) dst(%arg11 : memref<128x128xf32, #tpu.memory_space<vmem>>)
      %dma_start3A_191 = arith.constant 896 : i32
      %dma_start3A_192 = tpu.memref_slice %arg8[%dma_start3A_191] : memref<1024xi32, #tpu.memory_space<vmem>> -> memref<128xi32, #tpu.memory_space<vmem>>
      %dma_start3A_193 = arith.constant 0 : i32
      %dma_start3A_194 = arith.constant 0 : i32
      %dma_start3A_195 = tpu.memref_slice %arg2[%dma_start3A_193, %dma_start3A_194] : memref<10240x128xf32, #tpu.memory_space<hbm>> -> memref<10240x128xf32, #tpu.memory_space<hbm>>
      tpu.enqueue_indirect_dma source(%dma_start3A_195 : memref<10240x128xf32, #tpu.memory_space<hbm>>) target(%arg12 : memref<128x128xf32, #tpu.memory_space<vmem>>) offsets(%dma_start3A_192 : memref<128xi32, #tpu.memory_space<vmem>>) semaphore(%arg17 : memref<!tpu.dma_semaphore, #tpu.memory_space<semaphore_mem>>)
      "tpu.region"() ({
        %run_scoped3A = tpu.sem_alloc : memref<!tpu.dma_semaphore, #tpu.memory_space<semaphore_mem>>
        %dma_start3A_206 = arith.constant 768 : i32
        %dma_start3A_207 = tpu.memref_slice %arg10[%dma_start3A_206] : memref<1024xi32, #tpu.memory_space<vmem>> -> memref<128xi32, #tpu.memory_space<vmem>>
        %dma_start3A_208 = arith.constant 0 : i32
        %dma_start3A_209 = arith.constant 0 : i32
        %dma_start3A_210 = tpu.memref_slice %arg13[%dma_start3A_208, %dma_start3A_209] : memref<10240x128xf32, #tpu.memory_space<vmem_shared>> -> memref<10240x128xf32, #tpu.memory_space<vmem_shared>>
        tpu.enqueue_indirect_dma source(%arg11 : memref<128x128xf32, #tpu.memory_space<vmem>>) target(%dma_start3A_210 : memref<10240x128xf32, #tpu.memory_space<vmem_shared>>) offsets(%dma_start3A_207 : memref<128xi32, #tpu.memory_space<vmem>>) semaphore(%run_scoped3A : memref<!tpu.dma_semaphore, #tpu.memory_space<semaphore_mem>>) {add = true}
        %dma_wait3A_211 = arith.constant 768 : i32
        %dma_wait3A_212 = tpu.memref_slice %arg10[%dma_wait3A_211] : memref<1024xi32, #tpu.memory_space<vmem>> -> memref<128xi32, #tpu.memory_space<vmem>>
        %dma_wait3A_213 = arith.constant 0 : i32
        %dma_wait3A_214 = arith.constant 0 : i32
        %dma_wait3A_215 = tpu.memref_slice %arg13[%dma_wait3A_213, %dma_wait3A_214] : memref<10240x128xf32, #tpu.memory_space<vmem_shared>> -> memref<10240x128xf32, #tpu.memory_space<vmem_shared>>
        tpu.wait_indirect_dma semaphore(%run_scoped3A : memref<!tpu.dma_semaphore, #tpu.memory_space<semaphore_mem>>) src(%arg11 : memref<128x128xf32, #tpu.memory_space<vmem>>) dst(%dma_wait3A_215 : memref<10240x128xf32, #tpu.memory_space<vmem_shared>>)
        tpu.yield
      }) : () -> ()
      %dma_wait3A_196 = arith.constant 896 : i32
      %dma_wait3A_197 = tpu.memref_slice %arg8[%dma_wait3A_196] : memref<1024xi32, #tpu.memory_space<vmem>> -> memref<128xi32, #tpu.memory_space<vmem>>
      %dma_wait3A_198 = arith.constant 0 : i32
      %dma_wait3A_199 = arith.constant 0 : i32
      %dma_wait3A_200 = tpu.memref_slice %arg2[%dma_wait3A_198, %dma_wait3A_199] : memref<10240x128xf32, #tpu.memory_space<hbm>> -> memref<10240x128xf32, #tpu.memory_space<hbm>>
      tpu.wait_indirect_dma semaphore(%arg17 : memref<!tpu.dma_semaphore, #tpu.memory_space<semaphore_mem>>) src(%dma_wait3A_200 : memref<10240x128xf32, #tpu.memory_space<hbm>>) dst(%arg12 : memref<128x128xf32, #tpu.memory_space<vmem>>)
      %lt3A_201 = arith.constant 9 : i32
      %lt3A_202 = arith.cmpi slt, %add3A_115, %lt3A_201 : i32
      %convert_element_type3A_203 = arith.extui %lt3A_202 : i1 to i32
      %cond3A_204 = arith.constant 0 : i32
      %cond3A_205 = arith.cmpi ne, %convert_element_type3A_203, %cond3A_204 : i32
      scf.if %cond3A_205 {
        %dma_wait3A_206 = tpu.memref_slice %arg3[%add3A_120] : memref<327680xi32, #tpu.memory_space<hbm>> -> memref<1024xi32, #tpu.memory_space<hbm>>
        %dma_wait3A_207 = tpu.memref_slice %arg3[%add3A_120] : memref<327680xi32, #tpu.memory_space<hbm>> -> memref<1024xi32, #tpu.memory_space<hbm>>
        tpu.wait_dma2 semaphore(%arg14 : memref<!tpu.dma_semaphore, #tpu.memory_space<semaphore_mem>>) src(%dma_wait3A_207 : memref<1024xi32, #tpu.memory_space<hbm>>) dst(%arg7 : memref<1024xi32, #tpu.memory_space<vmem>>)
        %dma_wait3A_208 = tpu.memref_slice %arg4[%add3A_120] : memref<327680xi32, #tpu.memory_space<hbm>> -> memref<1024xi32, #tpu.memory_space<hbm>>
        %dma_wait3A_209 = tpu.memref_slice %arg4[%add3A_120] : memref<327680xi32, #tpu.memory_space<hbm>> -> memref<1024xi32, #tpu.memory_space<hbm>>
        tpu.wait_dma2 semaphore(%arg14 : memref<!tpu.dma_semaphore, #tpu.memory_space<semaphore_mem>>) src(%dma_wait3A_209 : memref<1024xi32, #tpu.memory_space<hbm>>) dst(%arg9 : memref<1024xi32, #tpu.memory_space<vmem>>)
        %dma_start3A_210 = arith.constant 0 : i32
        %dma_start3A_211 = tpu.memref_slice %arg7[%dma_start3A_210] : memref<1024xi32, #tpu.memory_space<vmem>> -> memref<128xi32, #tpu.memory_space<vmem>>
        %dma_start3A_212 = arith.constant 0 : i32
        %dma_start3A_213 = arith.constant 0 : i32
        %dma_start3A_214 = tpu.memref_slice %arg2[%dma_start3A_212, %dma_start3A_213] : memref<10240x128xf32, #tpu.memory_space<hbm>> -> memref<10240x128xf32, #tpu.memory_space<hbm>>
        tpu.enqueue_indirect_dma source(%dma_start3A_214 : memref<10240x128xf32, #tpu.memory_space<hbm>>) target(%arg11 : memref<128x128xf32, #tpu.memory_space<vmem>>) offsets(%dma_start3A_211 : memref<128xi32, #tpu.memory_space<vmem>>) semaphore(%arg16 : memref<!tpu.dma_semaphore, #tpu.memory_space<semaphore_mem>>)
      } else {
      }
      "tpu.region"() ({
        %run_scoped3A = tpu.sem_alloc : memref<!tpu.dma_semaphore, #tpu.memory_space<semaphore_mem>>
        %dma_start3A_206 = arith.constant 896 : i32
        %dma_start3A_207 = tpu.memref_slice %arg10[%dma_start3A_206] : memref<1024xi32, #tpu.memory_space<vmem>> -> memref<128xi32, #tpu.memory_space<vmem>>
        %dma_start3A_208 = arith.constant 0 : i32
        %dma_start3A_209 = arith.constant 0 : i32
        %dma_start3A_210 = tpu.memref_slice %arg13[%dma_start3A_208, %dma_start3A_209] : memref<10240x128xf32, #tpu.memory_space<vmem_shared>> -> memref<10240x128xf32, #tpu.memory_space<vmem_shared>>
        tpu.enqueue_indirect_dma source(%arg12 : memref<128x128xf32, #tpu.memory_space<vmem>>) target(%dma_start3A_210 : memref<10240x128xf32, #tpu.memory_space<vmem_shared>>) offsets(%dma_start3A_207 : memref<128xi32, #tpu.memory_space<vmem>>) semaphore(%run_scoped3A : memref<!tpu.dma_semaphore, #tpu.memory_space<semaphore_mem>>) {add = true}
        %dma_wait3A_211 = arith.constant 896 : i32
        %dma_wait3A_212 = tpu.memref_slice %arg10[%dma_wait3A_211] : memref<1024xi32, #tpu.memory_space<vmem>> -> memref<128xi32, #tpu.memory_space<vmem>>
        %dma_wait3A_213 = arith.constant 0 : i32
        %dma_wait3A_214 = arith.constant 0 : i32
        %dma_wait3A_215 = tpu.memref_slice %arg13[%dma_wait3A_213, %dma_wait3A_214] : memref<10240x128xf32, #tpu.memory_space<vmem_shared>> -> memref<10240x128xf32, #tpu.memory_space<vmem_shared>>
        tpu.wait_indirect_dma semaphore(%run_scoped3A : memref<!tpu.dma_semaphore, #tpu.memory_space<semaphore_mem>>) src(%arg12 : memref<128x128xf32, #tpu.memory_space<vmem>>) dst(%dma_wait3A_215 : memref<10240x128xf32, #tpu.memory_space<vmem_shared>>)
        tpu.yield
      }) : () -> ()
    }
    %scan3A_15 = arith.constant 5 : i32
    %barrier3A_16 = arith.constant 0 : index
    tpu.barrier barrier_id(%barrier3A_16)
    %mul3A_17 = arith.constant 640 : i32
    %mul3A_18 = arith.muli %arg1, %mul3A_17 : i32
    %mul3A_19 = arith.constant 640 : i32
    %mul3A_20 = arith.muli %arg1, %mul3A_19 : i32
    "tpu.region"() ({
      %run_scoped3A = tpu.sem_alloc : memref<!tpu.dma_semaphore, #tpu.memory_space<semaphore_mem>>
      %dma_start3A_21 = arith.constant 0 : i32
      %dma_start3A_22 = tpu.memref_slice %arg6[%arg0, %mul3A_20, %dma_start3A_21] : memref<2x10240x128xf32, #tpu.memory_space<hbm>> -> memref<1x640x128xf32, #tpu.memory_space<hbm>>
      %dma_start3A_23 = tpu.memref_squeeze %dma_start3A_22 : memref<1x640x128xf32, #tpu.memory_space<hbm>> -> memref<640x128xf32, #tpu.memory_space<hbm>>
      %dma_start3A_24 = arith.constant 0 : i32
      %dma_start3A_25 = tpu.memref_slice %arg13[%mul3A_18, %dma_start3A_24] : memref<10240x128xf32, #tpu.memory_space<vmem_shared>> -> memref<640x128xf32, #tpu.memory_space<vmem_shared>>
      tpu.enqueue_dma source(%dma_start3A_25 : memref<640x128xf32, #tpu.memory_space<vmem_shared>>) target(%dma_start3A_23 : memref<640x128xf32, #tpu.memory_space<hbm>>) target_semaphore(%run_scoped3A : memref<!tpu.dma_semaphore, #tpu.memory_space<semaphore_mem>>)
      %dma_wait3A = arith.constant 0 : i32
      %dma_wait3A_26 = tpu.memref_slice %arg6[%arg0, %mul3A_20, %dma_wait3A] : memref<2x10240x128xf32, #tpu.memory_space<hbm>> -> memref<1x640x128xf32, #tpu.memory_space<hbm>>
      %dma_wait3A_27 = tpu.memref_squeeze %dma_wait3A_26 : memref<1x640x128xf32, #tpu.memory_space<hbm>> -> memref<640x128xf32, #tpu.memory_space<hbm>>
      %dma_wait3A_28 = arith.constant 0 : i32
      %dma_wait3A_29 = tpu.memref_slice %arg13[%mul3A_18, %dma_wait3A_28] : memref<10240x128xf32, #tpu.memory_space<vmem_shared>> -> memref<640x128xf32, #tpu.memory_space<vmem_shared>>
      tpu.wait_dma2 semaphore(%run_scoped3A : memref<!tpu.dma_semaphore, #tpu.memory_space<semaphore_mem>>) src(%dma_wait3A_29 : memref<640x128xf32, #tpu.memory_space<vmem_shared>>) dst(%dma_wait3A_27 : memref<640x128xf32, #tpu.memory_space<hbm>>)
      tpu.yield
    }) : () -> ()
    return
  }
}

module attributes {stable_mosaic.version = 14 : i64} {
  func.func @_tc_scale_body(%arg0: i32, %arg1: memref<2x2000x1xf32, #tpu.memory_space<vmem>>, %arg2: memref<2000x128xf32, #tpu.memory_space<vmem>>, %arg3: memref<2000x128xf32, #tpu.memory_space<vmem>>, %arg4: memref<2000x1xf32, #tpu.memory_space<vmem>>) attributes {dimension_semantics = [#tpu.dimension_semantics<arbitrary>], iteration_bounds = array<i64: 5>, scalar_prefetch = 0 : i64, scratch_operands = 0 : i64, tpu.core_type = #tpu.core_type<tc>, window_params = [{transform_indices = @transform_0, window_bounds = array<i64: 2, 2000, 1>}, {transform_indices = @transform_1, window_bounds = array<i64: 2000, 128>}, {transform_indices = @transform_2, window_bounds = array<i64: 2000, 128>}, {transform_indices = @transform_3, window_bounds = array<i64: 2000, 1>}]} {
    %get3A = arith.constant 0 : index
    %get3A_0 = arith.constant 0 : index
    %get3A_1 = arith.constant 0 : index
    %get3A_2 = vector.load %arg1[%get3A, %get3A_0, %get3A_1] : memref<2x2000x1xf32, #tpu.memory_space<vmem>>, vector<1x2000x1xf32>
    %get3A_3 = vector.shape_cast %get3A_2 : vector<1x2000x1xf32> to vector<2000x1xf32>
    %get3A_4 = arith.constant 1 : index
    %get3A_5 = arith.constant 0 : index
    %get3A_6 = arith.constant 0 : index
    %get3A_7 = vector.load %arg1[%get3A_4, %get3A_5, %get3A_6] : memref<2x2000x1xf32, #tpu.memory_space<vmem>>, vector<1x2000x1xf32>
    %get3A_8 = vector.shape_cast %get3A_7 : vector<1x2000x1xf32> to vector<2000x1xf32>
    %add3A = arith.addf %get3A_3, %get3A_8 : vector<2000x1xf32>
    %rsqrt3A = math.rsqrt %add3A : vector<2000x1xf32>
    %swap3A = arith.constant 0 : index
    %swap3A_9 = arith.constant 0 : index
    %swap3A_10 = vector.load %arg4[%swap3A, %swap3A_9] : memref<2000x1xf32, #tpu.memory_space<vmem>>, vector<2000x1xf32>
    tpu.vector_store %arg4[%swap3A, %swap3A_9], %rsqrt3A {strides = array<i32>} : memref<2000x1xf32, #tpu.memory_space<vmem>>, vector<2000x1xf32>,
    %get3A_11 = arith.constant 0 : index
    %get3A_12 = arith.constant 0 : index
    %get3A_13 = vector.load %arg2[%get3A_11, %get3A_12] : memref<2000x128xf32, #tpu.memory_space<vmem>>, vector<2000x128xf32>
    %mul3A = vector.broadcast %rsqrt3A : vector<2000x1xf32> to vector<2000x128xf32>
    %mul3A_14 = arith.mulf %mul3A, %get3A_13 : vector<2000x128xf32>
    %swap3A_15 = arith.constant 0 : index
    %swap3A_16 = arith.constant 0 : index
    %swap3A_17 = vector.load %arg3[%swap3A_15, %swap3A_16] : memref<2000x128xf32, #tpu.memory_space<vmem>>, vector<2000x128xf32>
    tpu.vector_store %arg3[%swap3A_15, %swap3A_16], %mul3A_14 {strides = array<i32>} : memref<2000x128xf32, #tpu.memory_space<vmem>>, vector<2000x128xf32>,
    return
  }
  func.func @transform_0(%arg0: i32) -> (i32, i32, i32) {
    %c0_i32 = arith.constant 0 : i32
    %c0_i32_0 = arith.constant 0 : i32
    %c0_i32_1 = arith.constant 0 : i32
    return %c0_i32, %arg0, %c0_i32_0 : i32, i32, i32
  }
  func.func @transform_1(%arg0: i32) -> (i32, i32) {
    %c0_i32 = arith.constant 0 : i32
    %c0_i32_0 = arith.constant 0 : i32
    return %arg0, %c0_i32 : i32, i32
  }
  func.func @transform_2(%arg0: i32) -> (i32, i32) {
    %c0_i32 = arith.constant 0 : i32
    %c0_i32_0 = arith.constant 0 : i32
    return %arg0, %c0_i32 : i32, i32
  }
  func.func @transform_3(%arg0: i32) -> (i32, i32) {
    %c0_i32 = arith.constant 0 : i32
    %c0_i32_0 = arith.constant 0 : i32
    return %arg0, %c0_i32 : i32, i32
  }
}

module attributes {stable_mosaic.version = 14 : i64} {
  func.func @_tc_final_body(%arg0: i32, %arg1: memref<2x2000x128xf32, #tpu.memory_space<vmem>>, %arg2: memref<2000x128xf32, #tpu.memory_space<vmem>>, %arg3: memref<2000x1xf32, #tpu.memory_space<vmem>>, %arg4: memref<128x128xf32, #tpu.memory_space<vmem>>, %arg5: memref<1x128xf32, #tpu.memory_space<vmem>>, %arg6: memref<2000x128xf32, #tpu.memory_space<vmem>>) attributes {dimension_semantics = [#tpu.dimension_semantics<arbitrary>], iteration_bounds = array<i64: 5>, scalar_prefetch = 0 : i64, scratch_operands = 0 : i64, tpu.core_type = #tpu.core_type<tc>, window_params = [{transform_indices = @transform_0, window_bounds = array<i64: 2, 2000, 128>}, {transform_indices = @transform_1, window_bounds = array<i64: 2000, 128>}, {transform_indices = @transform_2, window_bounds = array<i64: 2000, 1>}, {pipeline_mode = #tpu.pipeline_mode<synchronous>, transform_indices = @transform_3, window_bounds = array<i64: 128, 128>}, {pipeline_mode = #tpu.pipeline_mode<synchronous>, transform_indices = @transform_4, window_bounds = array<i64: 1, 128>}, {transform_indices = @transform_5, window_bounds = array<i64: 2000, 128>}]} {
    %get3A = arith.constant 0 : index
    %get3A_0 = arith.constant 0 : index
    %get3A_1 = arith.constant 0 : index
    %get3A_2 = vector.load %arg1[%get3A, %get3A_0, %get3A_1] : memref<2x2000x128xf32, #tpu.memory_space<vmem>>, vector<1x2000x128xf32>
    %get3A_3 = vector.shape_cast %get3A_2 : vector<1x2000x128xf32> to vector<2000x128xf32>
    %get3A_4 = arith.constant 1 : index
    %get3A_5 = arith.constant 0 : index
    %get3A_6 = arith.constant 0 : index
    %get3A_7 = vector.load %arg1[%get3A_4, %get3A_5, %get3A_6] : memref<2x2000x128xf32, #tpu.memory_space<vmem>>, vector<1x2000x128xf32>
    %get3A_8 = vector.shape_cast %get3A_7 : vector<1x2000x128xf32> to vector<2000x128xf32>
    %add3A = arith.addf %get3A_3, %get3A_8 : vector<2000x128xf32>
    %get3A_9 = arith.constant 0 : index
    %get3A_10 = arith.constant 0 : index
    %get3A_11 = vector.load %arg2[%get3A_9, %get3A_10] : memref<2000x128xf32, #tpu.memory_space<vmem>>, vector<2000x128xf32>
    %add3A_12 = arith.addf %add3A, %get3A_11 : vector<2000x128xf32>
    %get3A_13 = arith.constant 0 : index
    %get3A_14 = arith.constant 0 : index
    %get3A_15 = vector.load %arg3[%get3A_13, %get3A_14] : memref<2000x1xf32, #tpu.memory_space<vmem>>, vector<2000x1xf32>
    %mul3A = vector.broadcast %get3A_15 : vector<2000x1xf32> to vector<2000x128xf32>
    %mul3A_16 = arith.mulf %mul3A, %add3A_12 : vector<2000x128xf32>
    %get3A_17 = arith.constant 0 : index
    %get3A_18 = arith.constant 0 : index
    %get3A_19 = vector.load %arg4[%get3A_17, %get3A_18] : memref<128x128xf32, #tpu.memory_space<vmem>>, vector<128x128xf32>
    %dot_general3A = arith.constant dense<0.000000e+00> : vector<2000x128xf32>
    %dot_general3A_20 = tpu.matmul %mul3A_16, %get3A_19, %dot_general3A {dimension_numbers = #tpu.dot_dimension_numbers<[1], [1], [0], [0], [0, 0, 1, 0], [], []>, transpose_lhs_hint = false} : vector<2000x128xf32>, vector<128x128xf32>, vector<2000x128xf32> -> vector<2000x128xf32>
    %get3A_21 = arith.constant 0 : index
    %get3A_22 = arith.constant 0 : index
    %get3A_23 = vector.load %arg5[%get3A_21, %get3A_22] : memref<1x128xf32, #tpu.memory_space<vmem>>, vector<1x128xf32>
    %add3A_24 = vector.broadcast %get3A_23 : vector<1x128xf32> to vector<2000x128xf32>
    %add3A_25 = arith.addf %dot_general3A_20, %add3A_24 : vector<2000x128xf32>
    %max3A = arith.constant 0.000000e+00 : f32
    %max3A_26 = vector.broadcast %max3A : f32 to vector<2000x128xf32>
    %max3A_27 = arith.maximumf %add3A_25, %max3A_26 : vector<2000x128xf32>
    %swap3A = arith.constant 0 : index
    %swap3A_28 = arith.constant 0 : index
    %swap3A_29 = vector.load %arg6[%swap3A, %swap3A_28] : memref<2000x128xf32, #tpu.memory_space<vmem>>, vector<2000x128xf32>
    tpu.vector_store %arg6[%swap3A, %swap3A_28], %max3A_27 {strides = array<i32>} : memref<2000x128xf32, #tpu.memory_space<vmem>>, vector<2000x128xf32>,
    return
  }
  func.func @transform_0(%arg0: i32) -> (i32, i32, i32) {
    %c0_i32 = arith.constant 0 : i32
    %c0_i32_0 = arith.constant 0 : i32
    %c0_i32_1 = arith.constant 0 : i32
    return %c0_i32, %arg0, %c0_i32_0 : i32, i32, i32
  }
  func.func @transform_1(%arg0: i32) -> (i32, i32) {
    %c0_i32 = arith.constant 0 : i32
    %c0_i32_0 = arith.constant 0 : i32
    return %arg0, %c0_i32 : i32, i32
  }
  func.func @transform_2(%arg0: i32) -> (i32, i32) {
    %c0_i32 = arith.constant 0 : i32
    %c0_i32_0 = arith.constant 0 : i32
    return %arg0, %c0_i32 : i32, i32
  }
  func.func @transform_3(%arg0: i32) -> (i32, i32) {
    %c0_i32 = arith.constant 0 : i32
    %c0_i32_0 = arith.constant 0 : i32
    %c0_i32_1 = arith.constant 0 : i32
    return %c0_i32, %c0_i32_0 : i32, i32
  }
  func.func @transform_4(%arg0: i32) -> (i32, i32) {
    %c0_i32 = arith.constant 0 : i32
    %c0_i32_0 = arith.constant 0 : i32
    %c0_i32_1 = arith.constant 0 : i32
    return %c0_i32, %c0_i32_0 : i32, i32
  }
  func.func @transform_5(%arg0: i32) -> (i32, i32) {
    %c0_i32 = arith.constant 0 : i32
    %c0_i32_0 = arith.constant 0 : i32
    return %arg0, %c0_i32 : i32, i32
  }
}

</mosaic_0001>

<sc_bundles>
// kernel: kernel.6.cloned.1.call-start
scs
__scs_entry_jumppad:
0x0: {  	(pc) =	sbr.rel $0x88, $3  }
0x1: {  	(tag) =	ssettag $0x0;
	lr =	simm.s32 $0x1  }
0x2: {  	[smem:$0x3F9D] =	sst lr;
	_ =	strace $0xD0000000  }
0x3: {  	_ = 	snop  }
0x4: {  	_ = 	snop  }
0x5: {  	_ = 	snop  }
0x6: {  	_ = 	snop  }
0x7: {  	_ = 	snop  }
__scs_overlays_trampoline_lowered:
0x8: {  	[smem:$0x3FAC] =	sst s0  }
0x9: {  	[smem:$0x3FAD] =	sst s1  }
0xa: {  	[smem:$0x3FAE] =	sst s2  }
0xb: {  	[smem:$0x3FAF] =	sst s3  }
0xc: {  	[smem:$0x3FB0] =	sst s4  }
0xd: {  	[smem:$0x3FB1] =	sst s5  }
0xe: {  	[smem:$0x3FB2] =	sst s6  }
0xf: {  	[smem:$0x3FB3] =	sst s7  }
0x10: {  	[smem:$0x3FB4] =	sst s8  }
0x11: {  	[smem:$0x3FB5] =	sst s9;
	s0 =	simm.s32 @!p0 $0x0  }
0x12: {  	s1 =	sld [smem:$0x3F9B];
	s0 =	simm.s32 @p0 $0x1  }
0x13: {  	[smem:$0x3FB6] =	sst s0;
	s0 =	simm.s32 @!p1 $0x0  }
0x14: {  	s2 =	sld [smem:$0x3F9A];
	s0 =	simm.s32 @p1 $0x1  }
0x15: {  	[smem:$0x3FB7] =	sst s0;
	s0 =	simm.s32 @!p2 $0x0  }
0x16: {  	s3 =	sld [smem:$0x3FDB];
	s0 =	simm.s32 @p2 $0x1  }
0x17: {  	s4 =	simm.s32 $0x1BF5;
	[smem:$0x3FB9] =	sst s0  }
0x18: {  	s0 =	sld [smem:$0x3F9C];
	_ =	swait.ge [sflag:s4], $0x0  }
0x19: {  	s7 =	sld [smem:$0x3F9D]  }
0x1a: {  	s8 =	sadd.s32 $0xFFFFE003, lr  }
0x1b: {  	s9 =	sadd.s32 $0xFFFFFEF7, lr;
	s5 =	simm.s32 $0xFFFFFFFF;
	p2 =	slt.u32 s8, $0xFFFFF086  }
0x1c: {  	p1 =	slt.u32 s9, $0xF7A;
	s5 =	simm.s32 @!p2 $0x0  }
0x1d: {  	s5 =	simm.s32 @p1 $0x1;
	p0 =	seq.s32 s7, s2  }
0x1e: {  	s7 =	smul.u32 @!p0 $0xF7A, s2;
	p2 =	seq.s32 @!p0 s5, $0x0  }
0x1f: {  	s9 =	smul.u32 $0xF7A, s1;
	s8 =	simm.s32 @!p0 $0x1BF5;
	p2 =	por !p2, p0  }
0x20: {  	[sflag:s8] =	ssyncset.s32 @!p0 $0xFFFFF086;
	s6 =	sadd.s32 @!p0 s3, s7;
	s7 =	simm.s32 @!p0 $0x108  }
0x21: {  	s3 =	sadd.s32 s3, s9;
	s6 =	sadd.s32 @!p0 $0x88, s6;
	s7 =	simm.s32 @p2 $0x1082  }
0x22: {  	[simem:s7], [sflag:s8] =	dma.local @!p0 [hbm:s6], $0xF7A  }
0x23: {  	s9 =	sor.u32 $0xD0000000, s2;
	s6 =	simm.s32 $0x108;
	_ =	swait.ge @!p0 [sflag:s8], $0x0  }
0x24: {  	s3 =	sadd.s32 $0x88, s3;
	s6 =	simm.s32 @!p1 $0x1082;
	[sflag:s4] =	ssyncset.s32 $0xFFFFF086  }
0x25: {  	[simem:s6], [sflag:s4] =	dma.local [hbm:s3], $0xF7A  }
0x26: {  	[smem:$0x3F9D] =	sst s1;
	(tag) =	ssettag s2;
	_ =	strace s9  }
0x27: {  	s1 =	sld [smem:$0x3FAD]  }
0x28: {  	s2 =	sld [smem:$0x3FAE]  }
0x29: {  	s4 =	sld [smem:$0x3FB0]  }
0x2a: {  	p0 =	seq.s32 s5, $0x0;
	s5 =	sld [smem:$0x3FB1]  }
0x2b: {  	s6 =	sld [smem:$0x3FB2]  }
0x2c: {  	s7 =	sld [smem:$0x3FB3]  }
0x2d: {  	s3 =	simm.s32 $0x108;
	s8 =	sld [smem:$0x3FB4]  }
0x2e: {  	s3 =	simm.s32 @!p0 $0x1082;
	s9 =	sld [smem:$0x3FB5]  }
0x2f: {  	lr =	sadd.s32 s0, s3;
	s0 =	sld [smem:$0x3FAC]  }
0x30: {  	s3 =	sld [smem:$0x3FAF]  }
0x31: {  	[smem:$0x3FB8] =	sst s10  }
0x32: {  	s10 =	sld [smem:$0x3FB6];
	_ =	sdelay $0x3  }
0x33: {  	p0 =	seq.s32 s10, $0x1;
	s10 =	sld [smem:$0x3FB8];
	_ =	sdelay $0x3  }
0x34: {  	[smem:$0x3FB8] =	sst s10  }
0x35: {  	s10 =	sld [smem:$0x3FB7];
	_ =	sdelay $0x3  }
0x36: {  	p1 =	seq.s32 s10, $0x1;
	s10 =	sld [smem:$0x3FB8];
	_ =	sdelay $0x3  }
0x37: {  	[smem:$0x3FB8] =	sst s10  }
0x38: {  	s10 =	sld [smem:$0x3FB9]  }
0x39: {  	_ = 	snop;
	(pc) =	sbr.ind lr, $3  }
0x3a: {  	_ = 	snop  }
0x3b: {  	_ = 	snop  }
0x3c: {  	p2 =	seq.s32 s10, $0x1;
	s10 =	sld [smem:$0x3FB8]  }
0x3d: {  	_ =	shalt  }
0x3e: {  	_ =	shalt  }
0x3f: {  	_ =	shalt  }
0x40: {  	_ =	shalt  }
0x41: {  	_ =	shalt  }
0x42: {  	_ =	shalt  }
0x43: {  	_ =	shalt  }
0x44: {  	_ =	shalt  }
0x45: {  	_ =	shalt  }
0x46: {  	_ =	shalt  }
0x47: {  	_ =	shalt  }
0x48: {  	_ =	shalt  }
0x49: {  	_ =	shalt  }
0x4a: {  	_ =	shalt  }
0x4b: {  	_ =	shalt  }
0x4c: {  	_ =	shalt  }
0x4d: {  	_ =	shalt  }
0x4e: {  	_ =	shalt  }
0x4f: {  	_ =	shalt  }
0x50: {  	_ =	shalt  }
0x51: {  	_ =	shalt  }
0x52: {  	_ =	shalt  }
0x53: {  	_ =	shalt  }
0x54: {  	_ =	shalt  }
0x55: {  	_ =	shalt  }
0x56: {  	_ =	shalt  }
0x57: {  	_ =	shalt  }
0x58: {  	_ =	shalt  }
0x59: {  	_ =	shalt  }
0x5a: {  	_ =	shalt  }
0x5b: {  	_ =	shalt  }
0x5c: {  	_ =	shalt  }
0x5d: {  	_ =	shalt  }
0x5e: {  	_ =	shalt  }
0x5f: {  	_ =	shalt  }
0x60: {  	_ =	shalt  }
0x61: {  	_ =	shalt  }
0x62: {  	_ =	shalt  }
0x63: {  	_ =	shalt  }
0x64: {  	_ =	shalt  }
0x65: {  	_ =	shalt  }
0x66: {  	_ =	shalt  }
0x67: {  	_ =	shalt  }
0x68: {  	_ =	shalt  }
0x69: {  	_ =	shalt  }
0x6a: {  	_ =	shalt  }
0x6b: {  	_ =	shalt  }
0x6c: {  	_ =	shalt  }
0x6d: {  	_ =	shalt  }
0x6e: {  	_ =	shalt  }
0x6f: {  	_ =	shalt  }
0x70: {  	_ =	shalt  }
0x71: {  	_ =	shalt  }
0x72: {  	_ =	shalt  }
0x73: {  	_ =	shalt  }
0x74: {  	_ =	shalt  }
0x75: {  	_ =	shalt  }
0x76: {  	_ =	shalt  }
0x77: {  	_ =	shalt  }
0x78: {  	_ =	shalt  }
0x79: {  	_ =	shalt  }
0x7a: {  	_ =	shalt  }
0x7b: {  	_ =	shalt  }
0x7c: {  	_ =	shalt  }
0x7d: {  	_ =	shalt  }
0x7e: {  	_ =	shalt  }
0x7f: {  	_ =	shalt  }
0x80: {  	_ =	shalt  }
0x81: {  	_ =	shalt  }
0x82: {  	_ =	shalt  }
0x83: {  	_ =	shalt  }
0x84: {  	_ =	shalt  }
0x85: {  	_ =	shalt  }
0x86: {  	_ =	shalt  }
0x87: {  	_ =	shalt  }
.Lfunc_end0:
.L_simem_size_0:
called_computation_lowered:
.L_overlay_start_0:
0x88: {  	s2 =	sld [smem:$0x3FD9]  }
0x89: {  	s3 =	sld [smem:$0x3FFE];
	_ =	sdelay $0x1  }
0x8a: {  	s1 =	srdreg.scid  }
0x8b: {  	s0 =	sand.u32 $0x1, s1  }
0x8c: {  	s16 =	sshll.u32 s0, $0xA;
	s2 =	sadd.s32 s3, s2  }
0x8d: {  	s2 =	sadd.s32 s2, s16  }
0x8e: {  	[smem:$0x3FC4] =	sst s2  }
0x8f: {  	_ = 	snop  }
0x90: {  	(tm) =	ssettm $0x1  }
0x91: {  	s17 =	sld [smem:$0x3FFB];
	_ =	sdelay $0x3  }
0x92: {  	_ =	strace s17  }
0x93: {  	s2 =	sld [smem:$0x3FFC];
	_ =	sdelay $0x3  }
0x94: {  	_ =	strace s2  }
0x95: {  	s2 =	sld [smem:$0x3FFD];
	_ =	sdelay $0x3  }
0x96: {  	_ =	strace s2  }
0x97: {  	_ =	strace $0x8FFFFFFF  }
0x98: {  	s18 =	sld [smem:$0x3FDB];
	_ =	sdelay $0x1  }
0x99: {  	s19 =	simm.s32 $_scs_section_size  }
0x9a: {  	s4 =	simm.s32 $_size__tile_overlayer_lowered;
	s5 =	simm.s32 $_tile_overlayer_lowered  }
0x9b: {  	s22 =	simm.s32 $0x1BFF;
	s21 =	sshll.u32 s5, $0x1;
	s2 =	sadd.s32 s19, s18  }
0x9c: {  	s6 =	simm.s32 $0x0;
	s20 =	sshll.u32 s4, $0x1;
	s4 =	sadd.s32 s21, s2  }
0x9d: {  	[timem:s6], [sflag:s22] =	dma.local [hbm:s4], s20  }
0x9e: {  	_ =	swait.ge [sflag:s22], s20  }
0x9f: {  	s3 =	ssub.s32 $0x0, s20;
	[sflag:s22] =	ssyncset.done $0x0  }
0xa0: {  	[sflag:s22] =	ssyncadd.s32 s3;
	_ =	sdelay $0x1  }
0xa1: {  	s23 =	simm.s32 $0x1B8B  }
0xa2: {  	_ =	swait.ge [sflag:s23], $0x1  }
0xa3: {  	[sflag:s23] =	ssyncset.done $0x0  }
0xa4: {  	s25 =	simm.s32 $0x1B8E;
	s24 =	sld [smem:$0x3FFE];
	[sflag:s23] =	ssyncadd.s32 $0xFFFFFFFF  }
0xa5: {  	s26 =	simm.s32 $execute0_lowered;
	[smem:$0x3FD2] =	sst s25  }
0xa6: {  	s4 =	sshll.u32 s26, $0x1;
	_ =	strace $0x80000046;
	[dreg:$0x1] =	wrdreg $0xFFFFFFFF  }
0xa7: {  	s28 =	simm.s32 $_size_execute0_lowered;
	s2 =	sadd.s32 s2, s4;
	[dreg:$0x0] =	wrdreg $0x0  }
0xa8: {  	s4 =	sshll.u32 s28, $0x1;
	[dreg:$0x2] =	wrdreg s2  }
0xa9: {  	[dreg:$0x3] =	wrdreg s4  }
0xaa: {  	[dreg:$0x4] =	wrdreg $0xC0  }
0xab: {  	_ =	task [dreg:s6], $0x5FFFF  }
0xac: {  	[dreg:$0x1] =	wrdreg $0xFFFFFFFF  }
0xad: {  	[dreg:$0x0] =	wrdreg $0x60  }
0xae: {  	[dreg:$0x2] =	wrdreg s24  }
0xaf: {  	[dreg:$0x3] =	wrdreg $0x28800  }
0xb0: {  	[dreg:$0x4] =	wrdreg $0x9  }
0xb1: {  	_ =	task.clear_ibuf [dreg:s6], $0x5FFFF;
	_ =	strace $0x90000046  }
0xb2: {  	s29 =	simm.s32 $0x9;
	_ =	strace $0x80000048  }
0xb3: {  	_ =	swait.ge [sflag:s29], $0x1  }
0xb4: {  	[sflag:s29] =	ssyncadd.s32 $0xFFFFFFFF  }
0xb5: {  	_ =	strace $0x90000048  }
0xb6: {  	_ =	sfence  }
0xb7: {  	s30 =	sld [smem:$0x0];
	_ =	sdelay $0x2  }
0xb8: {  	s31 =	sshll.u32 s1, $0xD;
	s1 =	sshrl.u32 s1, $0x2  }
0xb9: {  	s3 =	sand.u32 $0x4000, s31;
	s1 =	sadd.s32 s1, s30  }
0xba: {  	s0 =	sor.u32 s3, s0;
	s1 =	sshll.u32 s1, $0x11  }
0xbb: {  	s0 =	sor.u32 s1, s0  }
0xbc: {  	s0 =	sadd.s32 $0x8F2B, s0  }
0xbd: {  	[sflag:s0] =	ssyncadd.remote.s32 $0x1  }
0xbe: {  	_ =	sfence.sel $0xFFFF  }
0xbf: {  	[dreg:$0x0] =	wrdreg $0xFFFFFFFF;
	(pc) =	sbr.abs _section_cstart, $3  }
0xc0: {  	[dreg:$0x1] =	wrdreg $0xFFFFFFFF  }
0xc1: {  	_ =	task.clear_ibuf [dreg:s6], $0x2FFFF;
	_ =	strace $0x9FFFFFFF  }
0xc2: {  	(tm) =	ssettm $0x7FFFFFFF  }
0xc3: {  	_ =	shalt  }
tec
execute0_lowered:
.L_overlay_start_1:
0x0: {  	(tag) =	ssettag $0x1  }
0x1: {  	s1 =	srdreg.scid  }
0x2: {  	s0 =	stileid.u32;
	s4 =	rddreg [dreg:$0x0]  }
0x3: {  	s2 =	rddreg [dreg:$0x1];
	s3 =	simm.s32 $0x0;
	s12 =	simm.s32 $0x2800  }
0x4: {  	s13 =	simm.s32 $0x1;
	s14 =	simm.s32 $0x20;
	s15 =	simm.s32 $0x10  }
0x5: {  	s16 =	simm.s32 $0x0;
	s5 =	sand.u32 $0x1, s1;
	s1 =	rddreg [dreg:$0x2]  }
0x6: {  	s29 =	sshll.u32 s0, $0x1;
	[smem:$0x7FF] =	sst s3;
	s7 =	smul.u32 $0x500, s0  }
0x7: {  	s8 =	smul.u32 $0x280, s0;
	s31 =	sshll.u32 s0, $0x6;
	s6 =	sor.u32 s5, s29  }
0x8: {  	_ =	strace $0x80000047;
	s9 =	sshll.u32 s5, $0x7;
	s5 =	ssub.s32 $0x2, s5  }
0x9: {  	s6 =	smul.u32 $0x500, s6;
	s7 =	sor.u32 s9, s7;
	s30 =	sshrl.u32 s8, $0x3  }
0xa: {  	s10 =	sshrl.u32 s5, $0x1;
	s11 =	sadd.s32 s8, s2;
	s8 =	simm.s32 $0x2  }
0xb: {  	s7 =	sshrl.u32 s7, $0x3;
	s9 =	sadd.s32 s30, s4;
	s10 =	ssub.s32 s5, s10  }
0xc: {  	s6 =	sadd.s32 s6, s4;
	s7 =	sadd.s32 s7, s4;
	s5 =	sadd.s32 $0x15200, s9  }
0xd: {  	s9 =	sor.u32 $0x1C02, s31;
	s4 =	sadd.s32 $0x1200, s6;
	s6 =	sadd.s32 $0x15800, s7  }
0xe: {  	v0 =	vimm.f32 $1.000000000e+00;
	s7 =	smax.u32 s10, $0x1;
	s10 =	sshrl.u32 s11, $0x3;
	s11 =	simm.s32 $0x80  }
.LBB2_1:
0xf: {  	[tilespmem:s3], [sflag:$0x2] =	stream.linear.gather [hbm4b:s4+s3], $0x2800, $0x38;
	[tilespmem:$0x2B00] =	vst v63  }
0x10: {  	_ =	swait.ge [sflag:s8], $0x2800  }
0x11: {  	[sflag:s8] =	ssyncset.done $0x0  }
0x12: {  	[sflag:s8] =	ssyncadd.s32 $0xFFFFD800  }
0x13: {  	[tilespmem:$0x2800] =	vst v0  }
0x14: {  	[tilespmem:$0x2810] =	vst v0  }
0x15: {  	[tilespmem:$0x2820] =	vst v0  }
0x16: {  	[tilespmem:$0x2830] =	vst v0  }
0x17: {  	[tilespmem:$0x2840] =	vst v0  }
0x18: {  	[tilespmem:$0x2850] =	vst v0  }
0x19: {  	[tilespmem:$0x2860] =	vst v0  }
0x1a: {  	[tilespmem:$0x2870] =	vst v0  }
0x1b: {  	[spmem:s10], [sflag:s9] =	dma.local [hbm:s5], $0x50  }
0x1c: {  	_ =	swait.ge [sflag:s8], $0x50  }
0x1d: {  	[sflag:s8] =	ssyncset.done $0x0  }
0x1e: {  	[sflag:s8] =	ssyncadd.s32 $0xFFFFFFB0  }
0x1f: {  	s17 =	simm.s32 $0x0;
	[bflag:$0x0] =	sbarrier.arrive $0xFFFF  }
.LBB2_2:
0x20: {  	p0 =	sne.s32 s17, $0x9E00  }
.Ltmp0:
0x21: {  	_ = 	snop;
	(pc) =	sbr.rel @p0 .LBB2_2-.Ltmp0, $3  }
0x22: {  	_ =	sdelay $0x1  }
0x23: {  	s18 =	sshra.s32 s17, $0x2;
	s17 =	sadd.s32 $0x200, s17  }
0x24: {  	[spmem:s2] =	stream.indirect.scatter.add.f32 [tilespmem:s12], [sflag:$0x1], $0x1, s18, s11, $0xb8;
	[tilespmem:$0x2B00] =	vst v63  }
0x25: {  	_ =	swait.ge [sflag:s13], $0x80  }
0x26: {  	s17 =	simm.s32 $0x4F;
	[sflag:s13] =	ssyncset.done $0x0  }
.LBB2_4:
0x27: {  	p0 =	sne.s32 s17, $0x1;
	s17 =	sadd.s32 $0xFFFFFFFF, s17;
	[sflag:s13] =	ssyncadd.s32 $0xFFFFFF80  }
.Ltmp1:
0x28: {  	(pc) =	sbr.rel @p0 .LBB2_4-.Ltmp1, $3  }
0x29: {  	_ =	sdelay $0x1  }
0x2a: {  	_ =	swait.ge [sflag:s13], $0x80  }
0x2b: {  	[sflag:s13] =	ssyncset.done $0x0  }
0x2c: {  	s16 =	sadd.s32 $0x1, s16  }
0x2d: {  	[sflag:s13] =	ssyncadd.s32 $0xFFFFFF80;
	p0 =	sne.s32 s16, s7  }
.Ltmp2:
0x2e: {  	[bflag:$0x0] =	sbarrier.arrive $0xFFFF;
	(pc) =	sbr.rel @p0 .LBB2_1-.Ltmp2, $4  }
0x2f: {  	[hbm:s6@s14], [sflag:s9] =	dma.strided [spmem:s10@s15], $0x50, s13, $0x10   }
0x30: {  	_ =	swait.ge [sflag:s8], $0x50  }
0x31: {  	[sflag:s8] =	ssyncset.done $0x0  }
0x32: {  	[sflag:s8] =	ssyncadd.s32 $0xFFFFFFB0  }
0x33: {  	_ =	sfence.sel $0x180000  }
0x34: {  	[bflag:$0x0] =	sbarrier.arrive $0xFFFF  }
0x35: {  	p0 =	sne.s32 s0, $0x0;
	_ =	strace $0x90000047  }
0x36: {  	s0 =	sadd.s32 @!p0 $0x100000, s1;
	[bflag:$0x2] =	sbarrier.arrive $0xFFFF  }
0x37: {  	[sflag:s0] =	ssyncadd.tile.s32 @!p0 $0x1;
	_ =	shalt  }
.Lfunc_end2:
_tile_overlayer_lowered:
.L_overlay_start_2:
0x38: {  	(tag) =	ssettag $0x2  }
0x39: {  	s0 =	rddreg [dreg:$0x0];
	s2 =	stileid.u32  }
0x3a: {  	s1 =	rddreg [dreg:$0x1];
	p0 =	sne.s32 s2, $0x0  }
0x3b: {  	s3 =	rddreg [dreg:$0x2];
	[bflag:$0x3] =	sbarrier.arrive $0xFFFF;
	s2 =	simm.s32 @!p0 $0x1C02  }
0x3c: {  	[timem:s3], [sflag:s2] =	dma.local @!p0 [hbm:s0], s1  }
0x3d: {  	s0 =	simm.s32 @!p0 $0x2  }
0x3e: {  	_ =	swait.ge @!p0 [sflag:s0], s1  }
0x3f: {  	s1 =	ssub.s32 @!p0 $0x0, s1;
	[sflag:s0] =	ssyncset.done @!p0 $0x0  }
0x40: {  	[sflag:s0] =	ssyncadd.s32 @!p0 s1  }
0x41: {  	[bflag:$0x3] =	sbarrier.arrive $0xFFFF  }
0x42: {  	_ =	shalt  }

// kernel: kernel.9.cloned.1.call-start
scs
__scs_entry_jumppad:
0x0: {  	(pc) =	sbr.rel $0x88, $3  }
0x1: {  	(tag) =	ssettag $0x0;
	lr =	simm.s32 $0x1  }
0x2: {  	[smem:$0x3F9D] =	sst lr;
	_ =	strace $0xD0000000  }
0x3: {  	_ = 	snop  }
0x4: {  	_ = 	snop  }
0x5: {  	_ = 	snop  }
0x6: {  	_ = 	snop  }
0x7: {  	_ = 	snop  }
__scs_overlays_trampoline_lowered:
0x8: {  	[smem:$0x3FAC] =	sst s0  }
0x9: {  	[smem:$0x3FAD] =	sst s1  }
0xa: {  	[smem:$0x3FAE] =	sst s2  }
0xb: {  	[smem:$0x3FAF] =	sst s3  }
0xc: {  	[smem:$0x3FB0] =	sst s4  }
0xd: {  	[smem:$0x3FB1] =	sst s5  }
0xe: {  	[smem:$0x3FB2] =	sst s6  }
0xf: {  	[smem:$0x3FB3] =	sst s7  }
0x10: {  	[smem:$0x3FB4] =	sst s8  }
0x11: {  	[smem:$0x3FB5] =	sst s9;
	s0 =	simm.s32 @!p0 $0x0  }
0x12: {  	s1 =	sld [smem:$0x3F9B];
	s0 =	simm.s32 @p0 $0x1  }
0x13: {  	[smem:$0x3FB6] =	sst s0;
	s0 =	simm.s32 @!p1 $0x0  }
0x14: {  	s2 =	sld [smem:$0x3F9A];
	s0 =	simm.s32 @p1 $0x1  }
0x15: {  	[smem:$0x3FB7] =	sst s0;
	s0 =	simm.s32 @!p2 $0x0  }
0x16: {  	s3 =	sld [smem:$0x3FDB];
	s0 =	simm.s32 @p2 $0x1  }
0x17: {  	s4 =	simm.s32 $0x1BF5;
	[smem:$0x3FB9] =	sst s0  }
0x18: {  	s0 =	sld [smem:$0x3F9C];
	_ =	swait.ge [sflag:s4], $0x0  }
0x19: {  	s7 =	sld [smem:$0x3F9D]  }
0x1a: {  	s8 =	sadd.s32 $0xFFFFE003, lr  }
0x1b: {  	s9 =	sadd.s32 $0xFFFFFEF7, lr;
	s5 =	simm.s32 $0xFFFFFFFF;
	p2 =	slt.u32 s8, $0xFFFFF086  }
0x1c: {  	p1 =	slt.u32 s9, $0xF7A;
	s5 =	simm.s32 @!p2 $0x0  }
0x1d: {  	s5 =	simm.s32 @p1 $0x1;
	p0 =	seq.s32 s7, s2  }
0x1e: {  	s7 =	smul.u32 @!p0 $0xF7A, s2;
	p2 =	seq.s32 @!p0 s5, $0x0  }
0x1f: {  	s9 =	smul.u32 $0xF7A, s1;
	s8 =	simm.s32 @!p0 $0x1BF5;
	p2 =	por !p2, p0  }
0x20: {  	[sflag:s8] =	ssyncset.s32 @!p0 $0xFFFFF086;
	s6 =	sadd.s32 @!p0 s3, s7;
	s7 =	simm.s32 @!p0 $0x108  }
0x21: {  	s3 =	sadd.s32 s3, s9;
	s6 =	sadd.s32 @!p0 $0x88, s6;
	s7 =	simm.s32 @p2 $0x1082  }
0x22: {  	[simem:s7], [sflag:s8] =	dma.local @!p0 [hbm:s6], $0xF7A  }
0x23: {  	s9 =	sor.u32 $0xD0000000, s2;
	s6 =	simm.s32 $0x108;
	_ =	swait.ge @!p0 [sflag:s8], $0x0  }
0x24: {  	s3 =	sadd.s32 $0x88, s3;
	s6 =	simm.s32 @!p1 $0x1082;
	[sflag:s4] =	ssyncset.s32 $0xFFFFF086  }
0x25: {  	[simem:s6], [sflag:s4] =	dma.local [hbm:s3], $0xF7A  }
0x26: {  	[smem:$0x3F9D] =	sst s1;
	(tag) =	ssettag s2;
	_ =	strace s9  }
0x27: {  	s1 =	sld [smem:$0x3FAD]  }
0x28: {  	s2 =	sld [smem:$0x3FAE]  }
0x29: {  	s4 =	sld [smem:$0x3FB0]  }
0x2a: {  	p0 =	seq.s32 s5, $0x0;
	s5 =	sld [smem:$0x3FB1]  }
0x2b: {  	s6 =	sld [smem:$0x3FB2]  }
0x2c: {  	s7 =	sld [smem:$0x3FB3]  }
0x2d: {  	s3 =	simm.s32 $0x108;
	s8 =	sld [smem:$0x3FB4]  }
0x2e: {  	s3 =	simm.s32 @!p0 $0x1082;
	s9 =	sld [smem:$0x3FB5]  }
0x2f: {  	lr =	sadd.s32 s0, s3;
	s0 =	sld [smem:$0x3FAC]  }
0x30: {  	s3 =	sld [smem:$0x3FAF]  }
0x31: {  	[smem:$0x3FB8] =	sst s10  }
0x32: {  	s10 =	sld [smem:$0x3FB6];
	_ =	sdelay $0x3  }
0x33: {  	p0 =	seq.s32 s10, $0x1;
	s10 =	sld [smem:$0x3FB8];
	_ =	sdelay $0x3  }
0x34: {  	[smem:$0x3FB8] =	sst s10  }
0x35: {  	s10 =	sld [smem:$0x3FB7];
	_ =	sdelay $0x3  }
0x36: {  	p1 =	seq.s32 s10, $0x1;
	s10 =	sld [smem:$0x3FB8];
	_ =	sdelay $0x3  }
0x37: {  	[smem:$0x3FB8] =	sst s10  }
0x38: {  	s10 =	sld [smem:$0x3FB9]  }
0x39: {  	_ = 	snop;
	(pc) =	sbr.ind lr, $3  }
0x3a: {  	_ = 	snop  }
0x3b: {  	_ = 	snop  }
0x3c: {  	p2 =	seq.s32 s10, $0x1;
	s10 =	sld [smem:$0x3FB8]  }
0x3d: {  	_ =	shalt  }
0x3e: {  	_ =	shalt  }
0x3f: {  	_ =	shalt  }
0x40: {  	_ =	shalt  }
0x41: {  	_ =	shalt  }
0x42: {  	_ =	shalt  }
0x43: {  	_ =	shalt  }
0x44: {  	_ =	shalt  }
0x45: {  	_ =	shalt  }
0x46: {  	_ =	shalt  }
0x47: {  	_ =	shalt  }
0x48: {  	_ =	shalt  }
0x49: {  	_ =	shalt  }
0x4a: {  	_ =	shalt  }
0x4b: {  	_ =	shalt  }
0x4c: {  	_ =	shalt  }
0x4d: {  	_ =	shalt  }
0x4e: {  	_ =	shalt  }
0x4f: {  	_ =	shalt  }
0x50: {  	_ =	shalt  }
0x51: {  	_ =	shalt  }
0x52: {  	_ =	shalt  }
0x53: {  	_ =	shalt  }
0x54: {  	_ =	shalt  }
0x55: {  	_ =	shalt  }
0x56: {  	_ =	shalt  }
0x57: {  	_ =	shalt  }
0x58: {  	_ =	shalt  }
0x59: {  	_ =	shalt  }
0x5a: {  	_ =	shalt  }
0x5b: {  	_ =	shalt  }
0x5c: {  	_ =	shalt  }
0x5d: {  	_ =	shalt  }
0x5e: {  	_ =	shalt  }
0x5f: {  	_ =	shalt  }
0x60: {  	_ =	shalt  }
0x61: {  	_ =	shalt  }
0x62: {  	_ =	shalt  }
0x63: {  	_ =	shalt  }
0x64: {  	_ =	shalt  }
0x65: {  	_ =	shalt  }
0x66: {  	_ =	shalt  }
0x67: {  	_ =	shalt  }
0x68: {  	_ =	shalt  }
0x69: {  	_ =	shalt  }
0x6a: {  	_ =	shalt  }
0x6b: {  	_ =	shalt  }
0x6c: {  	_ =	shalt  }
0x6d: {  	_ =	shalt  }
0x6e: {  	_ =	shalt  }
0x6f: {  	_ =	shalt  }
0x70: {  	_ =	shalt  }
0x71: {  	_ =	shalt  }
0x72: {  	_ =	shalt  }
0x73: {  	_ =	shalt  }
0x74: {  	_ =	shalt  }
0x75: {  	_ =	shalt  }
0x76: {  	_ =	shalt  }
0x77: {  	_ =	shalt  }
0x78: {  	_ =	shalt  }
0x79: {  	_ =	shalt  }
0x7a: {  	_ =	shalt  }
0x7b: {  	_ =	shalt  }
0x7c: {  	_ =	shalt  }
0x7d: {  	_ =	shalt  }
0x7e: {  	_ =	shalt  }
0x7f: {  	_ =	shalt  }
0x80: {  	_ =	shalt  }
0x81: {  	_ =	shalt  }
0x82: {  	_ =	shalt  }
0x83: {  	_ =	shalt  }
0x84: {  	_ =	shalt  }
0x85: {  	_ =	shalt  }
0x86: {  	_ =	shalt  }
0x87: {  	_ =	shalt  }
.Lfunc_end0:
.L_simem_size_0:
called_computation.1_lowered:
.L_overlay_start_0:
0x88: {  	s2 =	sld [smem:$0x3FD9]  }
0x89: {  	s3 =	sld [smem:$0x3FFE];
	_ =	sdelay $0x1  }
0x8a: {  	s1 =	srdreg.scid  }
0x8b: {  	s0 =	sand.u32 $0x1, s1  }
0x8c: {  	s17 =	sshll.u32 s0, $0xA;
	s2 =	sadd.s32 s3, s2  }
0x8d: {  	s2 =	sadd.s32 s2, s17  }
0x8e: {  	[smem:$0x3FC4] =	sst s2  }
0x8f: {  	_ = 	snop  }
0x90: {  	s2 =	sld [smem:$0x3FD0];
	(tm) =	ssettm $0x1  }
0x91: {  	s18 =	sld [smem:$0x3FFB];
	_ =	sdelay $0x3  }
0x92: {  	_ =	strace s18  }
0x93: {  	s3 =	sld [smem:$0x3FFC];
	_ =	sdelay $0x3  }
0x94: {  	_ =	strace s3  }
0x95: {  	s3 =	sld [smem:$0x3FFD];
	_ =	sdelay $0x3  }
0x96: {  	_ =	strace s3  }
0x97: {  	_ =	strace $0x8FFFFFFF  }
0x98: {  	s19 =	sld [smem:$0x3FDB];
	_ =	sdelay $0x1  }
0x99: {  	s4 =	simm.s32 $_scs_section_size  }
0x9a: {  	s5 =	simm.s32 $_size__tile_overlayer_lowered;
	s6 =	simm.s32 $_tile_overlayer_lowered  }
0x9b: {  	s22 =	simm.s32 $0x1BFF;
	s21 =	sshll.u32 s6, $0x1;
	s3 =	sadd.s32 s4, s19  }
0x9c: {  	s7 =	simm.s32 $0x0;
	s20 =	sshll.u32 s5, $0x1;
	s5 =	sadd.s32 s21, s3  }
0x9d: {  	[timem:s7], [sflag:s22] =	dma.local [hbm:s5], s20  }
0x9e: {  	_ =	swait.ge [sflag:s22], s20  }
0x9f: {  	s4 =	ssub.s32 $0x0, s20;
	[sflag:s22] =	ssyncset.done $0x0  }
0xa0: {  	[sflag:s22] =	ssyncadd.s32 s4;
	_ =	sdelay $0x1  }
0xa1: {  	s23 =	simm.s32 $0x1B8B  }
0xa2: {  	_ =	swait.ge [sflag:s23], $0x1  }
0xa3: {  	[sflag:s23] =	ssyncset.done $0x0  }
0xa4: {  	s25 =	simm.s32 $0x1B8E;
	s24 =	sld [smem:$0x3FFE];
	[sflag:s23] =	ssyncadd.s32 $0xFFFFFFFF  }
0xa5: {  	s26 =	simm.s32 $execute0_lowered;
	[smem:$0x3FD2] =	sst s25  }
0xa6: {  	s5 =	sshll.u32 s26, $0x1;
	_ =	strace $0x80000049;
	[dreg:$0x1] =	wrdreg $0xFFFFFFFF  }
0xa7: {  	s28 =	simm.s32 $_size_execute0_lowered;
	s3 =	sadd.s32 s3, s5;
	[dreg:$0x0] =	wrdreg $0x0  }
0xa8: {  	s5 =	sshll.u32 s28, $0x1;
	[dreg:$0x2] =	wrdreg s3  }
0xa9: {  	[dreg:$0x3] =	wrdreg s5  }
0xaa: {  	[dreg:$0x4] =	wrdreg $0xC0  }
0xab: {  	_ =	task [dreg:s7], $0x5FFFF  }
0xac: {  	[dreg:$0x1] =	wrdreg $0xFFFFFFFF  }
0xad: {  	[dreg:$0x0] =	wrdreg $0x60  }
0xae: {  	[dreg:$0x2] =	wrdreg s24  }
0xaf: {  	[dreg:$0x3] =	wrdreg s2  }
0xb0: {  	[dreg:$0x4] =	wrdreg $0x90000  }
0xb1: {  	[dreg:$0x5] =	wrdreg $0x9  }
0xb2: {  	_ =	task.clear_ibuf [dreg:s7], $0x6FFFF;
	_ =	strace $0x90000049  }
0xb3: {  	s29 =	simm.s32 $0x9;
	_ =	strace $0x8000004B  }
0xb4: {  	_ =	swait.ge [sflag:s29], $0x1  }
0xb5: {  	[sflag:s29] =	ssyncadd.s32 $0xFFFFFFFF  }
0xb6: {  	_ =	strace $0x9000004B  }
0xb7: {  	_ =	sfence  }
0xb8: {  	s30 =	sld [smem:$0x0];
	_ =	sdelay $0x2  }
0xb9: {  	s31 =	sshll.u32 s1, $0xD;
	s1 =	sshrl.u32 s1, $0x2  }
0xba: {  	s3 =	sand.u32 $0x4000, s31;
	s1 =	sadd.s32 s1, s30  }
0xbb: {  	s0 =	sor.u32 s3, s0;
	s1 =	sshll.u32 s1, $0x11  }
0xbc: {  	s0 =	sor.u32 s1, s0  }
0xbd: {  	s0 =	sadd.s32 $0x8F2B, s0  }
0xbe: {  	[sflag:s0] =	ssyncadd.remote.s32 $0x1  }
0xbf: {  	_ =	sfence.sel $0xFFFF  }
0xc0: {  	[dreg:$0x0] =	wrdreg $0xFFFFFFFF;
	(pc) =	sbr.abs _section_cstart, $3  }
0xc1: {  	[dreg:$0x1] =	wrdreg $0xFFFFFFFF  }
0xc2: {  	_ =	task.clear_ibuf [dreg:s7], $0x2FFFF;
	_ =	strace $0x9FFFFFFF  }
0xc3: {  	(tm) =	ssettm $0x7FFFFFFF  }
tec
execute0_lowered:
.L_overlay_start_1:
0x0: {  	(tag) =	ssettag $0x1  }
0x1: {  	s0 =	rddreg [dreg:$0x0]  }
0x2: {  	s2 =	rddreg [dreg:$0x1]  }
0x3: {  	s3 =	rddreg [dreg:$0x2]  }
0x4: {  	s4 =	simm.s32 $0x0;
	s17 =	stileid.u32;
	s1 =	srdreg.scid  }
0x5: {  	s12 =	simm.s32 $0x100;
	s13 =	simm.s32 $0x880;
	s14 =	simm.s32 $0x180  }
0x6: {  	s16 =	simm.s32 $0x900;
	s18 =	simm.s32 $0x200;
	s20 =	simm.s32 $0x980  }
0x7: {  	s21 =	simm.s32 $0x280;
	s22 =	simm.s32 $0xA00;
	[smem:$0x7FF] =	sst s4  }
0x8: {  	s23 =	simm.s32 $0x300;
	_ =	strace $0x8000004A;
	[dreg:$0x4] =	wrdreg s12  }
0x9: {  	s28 =	simm.s32 $0xF00;
	s29 =	simm.s32 $0xF80;
	[dreg:$0x5] =	wrdreg s13  }
0xa: {  	s30 =	simm.s32 $0x0;
	s7 =	smul.u32 $0x14000, s17;
	[dreg:$0x6] =	wrdreg s14  }
0xb: {  	s1 =	sand.u32 $0x1, s1;
	s5 =	sadd.s32 $0x15200, s0;
	[dreg:$0x7] =	wrdreg s16  }
0xc: {  	s6 =	sadd.s32 $0xB200, s0;
	s31 =	smul.u32 $0x50000, s17;
	[dreg:$0x8] =	wrdreg s18  }
0xd: {  	s9 =	sshll.u32 s17, $0x1;
	s19 =	smul.u32 $0x5000, s17;
	[dreg:$0x9] =	wrdreg s20  }
0xe: {  	s8 =	smul.u32 $0x140000, s1;
	s24 =	sor.u32 s1, s9;
	[dreg:$0xa] =	wrdreg s21  }
0xf: {  	s25 =	ssub.s32 $0x2, s1;
	s1 =	smul.u32 $0x2800, s1;
	[dreg:$0xb] =	wrdreg s22  }
0x10: {  	[dreg:$0xc] =	wrdreg s23;
	s16 =	simm.s32 $0x800;
	s18 =	sshll.u32 s17, $0x6  }
0x11: {  	s20 =	simm.s32 $0xD00;
	s21 =	simm.s32 $0x600;
	s22 =	simm.s32 $0xD80  }
0x12: {  	s23 =	simm.s32 $0x680;
	s10 =	sshrl.u32 s7, $0x3;
	[dreg:$0x15] =	wrdreg s20  }
0x13: {  	s26 =	sshrl.u32 s25, $0x1;
	s9 =	sshrl.u32 s31, $0x2;
	[dreg:$0x16] =	wrdreg s21  }
0x14: {  	s31 =	simm.s32 $0xB80;
	s17 =	sor.u32 $0x1C05, s18;
	[dreg:$0x17] =	wrdreg s22  }
0x15: {  	s20 =	simm.s32 $0x1000;
	s21 =	simm.s32 $0x3;
	[dreg:$0x18] =	wrdreg s23  }
0x16: {  	s22 =	simm.s32 $0x5000;
	s23 =	simm.s32 $0x4;
	s7 =	sadd.s32 s7, s8  }
0x17: {  	s8 =	smul.u32 $0x2800, s24;
	s24 =	simm.s32 $0xA80;
	[dreg:$0x10] =	wrdreg s31  }
0x18: {  	s12 =	sadd.s32 s9, s3;
	s9 =	simm.s32 $0x500;
	[dreg:$0xd] =	wrdreg s24  }
0x19: {  	s1 =	sadd.s32 s1, s19;
	s19 =	simm.s32 $0x580;
	[dreg:$0x12] =	wrdreg s9  }
0x1a: {  	s10 =	sadd.s32 s10, s0;
	s31 =	simm.s32 $0x780;
	[dreg:$0x14] =	wrdreg s19  }
0x1b: {  	s7 =	sshrl.u32 s7, $0x3;
	s15 =	sadd.s32 $0x3D200, s10;
	[dreg:$0x1c] =	wrdreg s31  }
0x1c: {  	s10 =	simm.s32 $0xC80;
	s18 =	sshrl.u32 s12, $0x3;
	[dreg:$0x1f] =	wrdreg s15  }
0x1d: {  	s24 =	simm.s32 $0xE00;
	s0 =	sadd.s32 s7, s0;
	[dreg:$0x13] =	wrdreg s10  }
0x1e: {  	s7 =	ssub.s32 s25, s26;
	s25 =	simm.s32 $0x380;
	[dreg:$0x19] =	wrdreg s24  }
0x1f: {  	s8 =	sshrl.u32 s8, $0x3;
	s26 =	simm.s32 $0xB00;
	[dreg:$0xe] =	wrdreg s25  }
0x20: {  	s19 =	simm.s32 $0x80;
	s11 =	sadd.s32 s6, s8;
	[dreg:$0xf] =	wrdreg s26  }
0x21: {  	s15 =	simm.s32 $0x5;
	s8 =	sadd.s32 s2, s8;
	[dreg:$0x1d] =	wrdreg s11  }
0x22: {  	s24 =	simm.s32 $0x400;
	s0 =	sadd.s32 $0x65200, s0;
	[dreg:$0x1e] =	wrdreg s8  }
0x23: {  	s25 =	simm.s32 $0x700;
	s26 =	simm.s32 $0xE80;
	[smem:$0x7FD] =	sst s0  }
0x24: {  	s11 =	smax.u32 s7, $0x1;
	s7 =	sadd.s32 $0x800, s1;
	[dreg:$0x1a] =	wrdreg s25  }
0x25: {  	s1 =	sor.u32 $0x400, s1;
	s8 =	simm.s32 $0x480;
	[dreg:$0x1b] =	wrdreg s26  }
0x26: {  	s25 =	simm.s32 $0xC00;
	s26 =	simm.s32 $0x2;
	s1 =	sshrl.u32 s1, $0x3  }
0x27: {  	[dreg:$0x11] =	wrdreg s8;
	s13 =	sadd.s32 s1, s2;
	s14 =	sadd.s32 s1, s6  }
.LBB2_1:
0x28: {  	s0 =	rddreg [dreg:$0x1d]  }
0x29: {  	[tilespmem:s4], [sflag:$0x5] =	stream.linear.gather [hbm4b:s0+s4], $0x400, $0x38;
	[tilespmem:$0x1D000] =	vst v63  }
0x2a: {  	_ =	swait.ge [sflag:s15], $0x400  }
0x2b: {  	[sflag:s15] =	ssyncset.done $0x0  }
0x2c: {  	s1 =	rddreg [dreg:$0x1e];
	[sflag:s15] =	ssyncadd.s32 $0xFFFFFC00  }
0x2d: {  	[tilespmem:s16], [sflag:$0x5] =	stream.linear.gather [hbm4b:s1+s4], $0x400, $0x38;
	[tilespmem:$0x1D000] =	vst v63  }
0x2e: {  	_ =	swait.ge [sflag:s15], $0x400  }
0x2f: {  	[sflag:s15] =	ssyncset.done $0x0  }
0x30: {  	s8 =	rddreg [dreg:$0x1f];
	[sflag:s15] =	ssyncadd.s32 $0xFFFFFC00  }
0x31: {  	[spmem:s18], [sflag:s17] =	dma.local [hbm:s8], $0x2800  }
0x32: {  	_ =	swait.ge [sflag:s15], $0x2800  }
0x33: {  	[sflag:s15] =	ssyncset.done $0x0  }
0x34: {  	[sflag:s15] =	ssyncadd.s32 $0xFFFFD800  }
0x35: {  	[bflag:$0x0] =	sbarrier.arrive $0xFFFF  }
0x36: {  	[tilespmem:s20], [sflag:$0x3] =	stream.indirect.gather [hbm4b:s5+s19], $0x80, s4, s19, $0xb8;
	[tilespmem:$0x1D000] =	vst v63  }
0x37: {  	_ =	swait.ge [sflag:s21], $0x4000  }
0x38: {  	[sflag:s21] =	ssyncset.done $0x0  }
0x39: {  	[sflag:s21] =	ssyncadd.s32 $0xFFFFC000  }
0x3a: {  	[tilespmem:s22], [sflag:$0x4] =	stream.indirect.gather [hbm4b:s5+s19], $0x80, s19, s19, $0xb8;
	[tilespmem:$0x1D000] =	vst v63  }
0x3b: {  	_ = 	snop  }
0x3c: {  	[spmem:s3] =	stream.indirect.scatter.add.f32 [tilespmem:s20], [sflag:$0x5], $0x80, s16, s19, $0xb8;
	[tilespmem:$0x1D000] =	vst v63  }
0x3d: {  	_ =	swait.ge [sflag:s15], $0x4000  }
0x3e: {  	[sflag:s15] =	ssyncset.done $0x0  }
0x3f: {  	[sflag:s15] =	ssyncadd.s32 $0xFFFFC000  }
0x40: {  	_ =	swait.ge [sflag:s23], $0x4000  }
0x41: {  	[sflag:s23] =	ssyncset.done $0x0  }
0x42: {  	s9 =	rddreg [dreg:$0x4];
	[sflag:s23] =	ssyncadd.s32 $0xFFFFC000  }
0x43: {  	[tilespmem:s20], [sflag:$0x3] =	stream.indirect.gather [hbm4b:s5+s19], $0x80, s9, s19, $0xb8;
	[tilespmem:$0x1D000] =	vst v63  }
0x44: {  	s1 =	rddreg [dreg:$0x5]  }
0x45: {  	[spmem:s3] =	stream.indirect.scatter.add.f32 [tilespmem:s22], [sflag:$0x5], $0x80, s1, s19, $0xb8;
	[tilespmem:$0x1D000] =	vst v63  }
0x46: {  	_ =	swait.ge [sflag:s15], $0x4000  }
0x47: {  	[sflag:s15] =	ssyncset.done $0x0  }
0x48: {  	[sflag:s15] =	ssyncadd.s32 $0xFFFFC000  }
0x49: {  	_ =	swait.ge [sflag:s21], $0x4000  }
0x4a: {  	[sflag:s21] =	ssyncset.done $0x0  }
0x4b: {  	s10 =	rddreg [dreg:$0x6];
	[sflag:s21] =	ssyncadd.s32 $0xFFFFC000  }
0x4c: {  	[tilespmem:s22], [sflag:$0x4] =	stream.indirect.gather [hbm4b:s5+s19], $0x80, s10, s19, $0xb8;
	[tilespmem:$0x1D000] =	vst v63  }
0x4d: {  	s12 =	rddreg [dreg:$0x7]  }
0x4e: {  	[spmem:s3] =	stream.indirect.scatter.add.f32 [tilespmem:s20], [sflag:$0x5], $0x80, s12, s19, $0xb8;
	[tilespmem:$0x1D000] =	vst v63  }
0x4f: {  	_ =	swait.ge [sflag:s15], $0x4000  }
0x50: {  	[sflag:s15] =	ssyncset.done $0x0  }
0x51: {  	[sflag:s15] =	ssyncadd.s32 $0xFFFFC000  }
0x52: {  	[tilespmem:s24], [sflag:$0x2] =	stream.linear.gather [hbm4b:s14+s4], $0x400, $0x38;
	[tilespmem:$0x1D000] =	vst v63  }
0x53: {  	_ = 	snop  }
0x54: {  	[tilespmem:s25], [sflag:$0x2] =	stream.linear.gather [hbm4b:s13+s4], $0x400, $0x38;
	[tilespmem:$0x1D000] =	vst v63  }
0x55: {  	_ =	swait.ge [sflag:s23], $0x4000  }
0x56: {  	[sflag:s23] =	ssyncset.done $0x0  }
0x57: {  	s8 =	rddreg [dreg:$0x8];
	[sflag:s23] =	ssyncadd.s32 $0xFFFFC000  }
0x58: {  	[tilespmem:s20], [sflag:$0x3] =	stream.indirect.gather [hbm4b:s5+s19], $0x80, s8, s19, $0xb8;
	[tilespmem:$0x1D000] =	vst v63  }
0x59: {  	s9 =	rddreg [dreg:$0x9]  }
0x5a: {  	[spmem:s3] =	stream.indirect.scatter.add.f32 [tilespmem:s22], [sflag:$0x5], $0x80, s9, s19, $0xb8;
	[tilespmem:$0x1D000] =	vst v63  }
0x5b: {  	_ =	swait.ge [sflag:s15], $0x4000  }
0x5c: {  	[sflag:s15] =	ssyncset.done $0x0  }
0x5d: {  	[sflag:s15] =	ssyncadd.s32 $0xFFFFC000  }
0x5e: {  	_ =	swait.ge [sflag:s21], $0x4000  }
0x5f: {  	[sflag:s21] =	ssyncset.done $0x0  }
0x60: {  	s10 =	rddreg [dreg:$0xa];
	[sflag:s21] =	ssyncadd.s32 $0xFFFFC000  }
0x61: {  	[tilespmem:s22], [sflag:$0x4] =	stream.indirect.gather [hbm4b:s5+s19], $0x80, s10, s19, $0xb8;
	[tilespmem:$0x1D000] =	vst v63  }
0x62: {  	s12 =	rddreg [dreg:$0xb]  }
0x63: {  	[spmem:s3] =	stream.indirect.scatter.add.f32 [tilespmem:s20], [sflag:$0x5], $0x80, s12, s19, $0xb8;
	[tilespmem:$0x1D000] =	vst v63  }
0x64: {  	_ =	swait.ge [sflag:s15], $0x4000  }
0x65: {  	[sflag:s15] =	ssyncset.done $0x0  }
0x66: {  	[sflag:s15] =	ssyncadd.s32 $0xFFFFC000  }
0x67: {  	_ =	swait.ge [sflag:s23], $0x4000  }
0x68: {  	[sflag:s23] =	ssyncset.done $0x0  }
0x69: {  	s1 =	rddreg [dreg:$0xc];
	[sflag:s23] =	ssyncadd.s32 $0xFFFFC000  }
0x6a: {  	[tilespmem:s20], [sflag:$0x3] =	stream.indirect.gather [hbm4b:s5+s19], $0x80, s1, s19, $0xb8;
	[tilespmem:$0x1D000] =	vst v63  }
0x6b: {  	s8 =	rddreg [dreg:$0xd]  }
0x6c: {  	[spmem:s3] =	stream.indirect.scatter.add.f32 [tilespmem:s22], [sflag:$0x5], $0x80, s8, s19, $0xb8;
	[tilespmem:$0x1D000] =	vst v63  }
0x6d: {  	_ =	swait.ge [sflag:s15], $0x4000  }
0x6e: {  	[sflag:s15] =	ssyncset.done $0x0  }
0x6f: {  	[sflag:s15] =	ssyncadd.s32 $0xFFFFC000  }
0x70: {  	_ =	swait.ge [sflag:s21], $0x4000  }
0x71: {  	[sflag:s21] =	ssyncset.done $0x0  }
0x72: {  	s9 =	rddreg [dreg:$0xe];
	[sflag:s21] =	ssyncadd.s32 $0xFFFFC000  }
0x73: {  	[tilespmem:s22], [sflag:$0x4] =	stream.indirect.gather [hbm4b:s5+s19], $0x80, s9, s19, $0xb8;
	[tilespmem:$0x1D000] =	vst v63  }
0x74: {  	s10 =	rddreg [dreg:$0xf]  }
0x75: {  	[spmem:s3] =	stream.indirect.scatter.add.f32 [tilespmem:s20], [sflag:$0x5], $0x80, s10, s19, $0xb8;
	[tilespmem:$0x1D000] =	vst v63  }
0x76: {  	_ =	swait.ge [sflag:s15], $0x4000  }
0x77: {  	[sflag:s15] =	ssyncset.done $0x0  }
0x78: {  	[sflag:s15] =	ssyncadd.s32 $0xFFFFC000  }
0x79: {  	_ =	swait.ge [sflag:s23], $0x4000  }
0x7a: {  	[sflag:s23] =	ssyncset.done $0x0  }
0x7b: {  	[sflag:s23] =	ssyncadd.s32 $0xFFFFC000  }
0x7c: {  	_ =	swait.ge [sflag:s26], $0x400  }
0x7d: {  	[sflag:s26] =	ssyncset.done $0x0  }
0x7e: {  	[sflag:s26] =	ssyncadd.s32 $0xFFFFFC00  }
0x7f: {  	_ =	swait.ge [sflag:s26], $0x400  }
0x80: {  	[sflag:s26] =	ssyncset.done $0x0  }
0x81: {  	[sflag:s26] =	ssyncadd.s32 $0xFFFFFC00  }
0x82: {  	[tilespmem:s20], [sflag:$0x3] =	stream.indirect.gather [hbm4b:s5+s19], $0x80, s24, s19, $0xb8;
	[tilespmem:$0x1D000] =	vst v63  }
0x83: {  	s12 =	rddreg [dreg:$0x10]  }
0x84: {  	[spmem:s3] =	stream.indirect.scatter.add.f32 [tilespmem:s22], [sflag:$0x5], $0x80, s12, s19, $0xb8;
	[tilespmem:$0x1D000] =	vst v63  }
0x85: {  	_ =	swait.ge [sflag:s15], $0x4000  }
0x86: {  	[sflag:s15] =	ssyncset.done $0x0  }
0x87: {  	[sflag:s15] =	ssyncadd.s32 $0xFFFFC000  }
0x88: {  	_ =	swait.ge [sflag:s21], $0x4000  }
0x89: {  	[sflag:s21] =	ssyncset.done $0x0  }
0x8a: {  	s1 =	rddreg [dreg:$0x11];
	[sflag:s21] =	ssyncadd.s32 $0xFFFFC000  }
0x8b: {  	[tilespmem:s22], [sflag:$0x4] =	stream.indirect.gather [hbm4b:s5+s19], $0x80, s1, s19, $0xb8;
	[tilespmem:$0x1D000] =	vst v63  }
0x8c: {  	_ = 	snop  }
0x8d: {  	[spmem:s3] =	stream.indirect.scatter.add.f32 [tilespmem:s20], [sflag:$0x5], $0x80, s25, s19, $0xb8;
	[tilespmem:$0x1D000] =	vst v63  }
0x8e: {  	_ =	swait.ge [sflag:s15], $0x4000  }
0x8f: {  	[sflag:s15] =	ssyncset.done $0x0  }
0x90: {  	[sflag:s15] =	ssyncadd.s32 $0xFFFFC000  }
0x91: {  	_ =	swait.ge [sflag:s23], $0x4000  }
0x92: {  	[sflag:s23] =	ssyncset.done $0x0  }
0x93: {  	s8 =	rddreg [dreg:$0x12];
	[sflag:s23] =	ssyncadd.s32 $0xFFFFC000  }
0x94: {  	[tilespmem:s20], [sflag:$0x3] =	stream.indirect.gather [hbm4b:s5+s19], $0x80, s8, s19, $0xb8;
	[tilespmem:$0x1D000] =	vst v63  }
0x95: {  	s9 =	rddreg [dreg:$0x13]  }
0x96: {  	[spmem:s3] =	stream.indirect.scatter.add.f32 [tilespmem:s22], [sflag:$0x5], $0x80, s9, s19, $0xb8;
	[tilespmem:$0x1D000] =	vst v63  }
0x97: {  	_ =	swait.ge [sflag:s15], $0x4000  }
0x98: {  	[sflag:s15] =	ssyncset.done $0x0  }
0x99: {  	[sflag:s15] =	ssyncadd.s32 $0xFFFFC000  }
0x9a: {  	_ =	swait.ge [sflag:s21], $0x4000  }
0x9b: {  	[sflag:s21] =	ssyncset.done $0x0  }
0x9c: {  	s10 =	rddreg [dreg:$0x14];
	[sflag:s21] =	ssyncadd.s32 $0xFFFFC000  }
0x9d: {  	[tilespmem:s22], [sflag:$0x4] =	stream.indirect.gather [hbm4b:s5+s19], $0x80, s10, s19, $0xb8;
	[tilespmem:$0x1D000] =	vst v63  }
0x9e: {  	s12 =	rddreg [dreg:$0x15]  }
0x9f: {  	[spmem:s3] =	stream.indirect.scatter.add.f32 [tilespmem:s20], [sflag:$0x5], $0x80, s12, s19, $0xb8;
	[tilespmem:$0x1D000] =	vst v63  }
0xa0: {  	p0 =	por $0x0, $0x0;
	_ =	swait.ge [sflag:s15], $0x4000  }
0xa1: {  	s0 =	sshrl.u32 @!p0 s7, $0x3;
	[sflag:s15] =	ssyncset.done $0x0  }
0xa2: {  	s1 =	sadd.s32 @!p0 s6, s0;
	s8 =	simm.s32 @!p0 $0x0;
	[sflag:s15] =	ssyncadd.s32 $0xFFFFC000  }
0xa3: {  	[tilespmem:s8], [sflag:$0x1] =	stream.linear.gather @!p0 [hbm4b:s1+s8], $0x400, $0x38;
	[tilespmem:$0x1D000] =	vst v63  }
0xa4: {  	s0 =	sadd.s32 @!p0 s2, s0;
	s1 =	simm.s32 @!p0 $0x800  }
0xa5: {  	[tilespmem:s1], [sflag:$0x1] =	stream.linear.gather @!p0 [hbm4b:s0+s8], $0x400, $0x38;
	[tilespmem:$0x1D000] =	vst v63  }
0xa6: {  	_ =	swait.ge [sflag:s23], $0x4000  }
0xa7: {  	[sflag:s23] =	ssyncset.done $0x0  }
0xa8: {  	s1 =	rddreg [dreg:$0x16];
	[sflag:s23] =	ssyncadd.s32 $0xFFFFC000  }
0xa9: {  	[tilespmem:s20], [sflag:$0x3] =	stream.indirect.gather [hbm4b:s5+s19], $0x80, s1, s19, $0xb8;
	[tilespmem:$0x1D000] =	vst v63  }
0xaa: {  	s9 =	rddreg [dreg:$0x17]  }
0xab: {  	[spmem:s3] =	stream.indirect.scatter.add.f32 [tilespmem:s22], [sflag:$0x5], $0x80, s9, s19, $0xb8;
	[tilespmem:$0x1D000] =	vst v63  }
0xac: {  	_ =	swait.ge [sflag:s15], $0x4000  }
0xad: {  	[sflag:s15] =	ssyncset.done $0x0  }
0xae: {  	[sflag:s15] =	ssyncadd.s32 $0xFFFFC000  }
0xaf: {  	_ =	swait.ge [sflag:s21], $0x4000  }
0xb0: {  	[sflag:s21] =	ssyncset.done $0x0  }
0xb1: {  	s10 =	rddreg [dreg:$0x18];
	[sflag:s21] =	ssyncadd.s32 $0xFFFFC000  }
0xb2: {  	[tilespmem:s22], [sflag:$0x4] =	stream.indirect.gather [hbm4b:s5+s19], $0x80, s10, s19, $0xb8;
	[tilespmem:$0x1D000] =	vst v63  }
0xb3: {  	s12 =	rddreg [dreg:$0x19]  }
0xb4: {  	[spmem:s3] =	stream.indirect.scatter.add.f32 [tilespmem:s20], [sflag:$0x5], $0x80, s12, s19, $0xb8;
	[tilespmem:$0x1D000] =	vst v63  }
0xb5: {  	_ =	swait.ge [sflag:s15], $0x4000  }
0xb6: {  	[sflag:s15] =	ssyncset.done $0x0  }
0xb7: {  	[sflag:s15] =	ssyncadd.s32 $0xFFFFC000  }
0xb8: {  	_ =	swait.ge [sflag:s23], $0x4000  }
0xb9: {  	[sflag:s23] =	ssyncset.done $0x0  }
0xba: {  	s9 =	rddreg [dreg:$0x1a];
	[sflag:s23] =	ssyncadd.s32 $0xFFFFC000  }
0xbb: {  	[tilespmem:s20], [sflag:$0x3] =	stream.indirect.gather [hbm4b:s5+s19], $0x80, s9, s19, $0xb8;
	[tilespmem:$0x1D000] =	vst v63  }
0xbc: {  	s10 =	rddreg [dreg:$0x1b]  }
0xbd: {  	[spmem:s3] =	stream.indirect.scatter.add.f32 [tilespmem:s22], [sflag:$0x5], $0x80, s10, s19, $0xb8;
	[tilespmem:$0x1D000] =	vst v63  }
0xbe: {  	_ =	swait.ge [sflag:s15], $0x4000  }
0xbf: {  	[sflag:s15] =	ssyncset.done $0x0  }
0xc0: {  	[sflag:s15] =	ssyncadd.s32 $0xFFFFC000  }
0xc1: {  	_ =	swait.ge [sflag:s21], $0x4000  }
0xc2: {  	[sflag:s21] =	ssyncset.done $0x0  }
0xc3: {  	s12 =	rddreg [dreg:$0x1c];
	[sflag:s21] =	ssyncadd.s32 $0xFFFFC000  }
0xc4: {  	[tilespmem:s22], [sflag:$0x4] =	stream.indirect.gather [hbm4b:s5+s19], $0x80, s12, s19, $0xb8;
	[tilespmem:$0x1D000] =	vst v63  }
0xc5: {  	_ = 	snop  }
0xc6: {  	[spmem:s3] =	stream.indirect.scatter.add.f32 [tilespmem:s20], [sflag:$0x5], $0x80, s28, s19, $0xb8;
	[tilespmem:$0x1D000] =	vst v63  }
0xc7: {  	_ =	swait.ge [sflag:s15], $0x4000  }
0xc8: {  	[sflag:s15] =	ssyncset.done $0x0  }
0xc9: {  	[sflag:s15] =	ssyncadd.s32 $0xFFFFC000  }
0xca: {  	_ =	swait.ge [sflag:s23], $0x4000  }
0xcb: {  	[sflag:s23] =	ssyncset.done $0x0  }
0xcc: {  	s0 =	simm.s32 @!p0 $0x1;
	[sflag:s23] =	ssyncadd.s32 $0xFFFFC000  }
0xcd: {  	_ =	swait.ge @!p0 [sflag:s0], $0x400  }
0xce: {  	[sflag:s0] =	ssyncset.done @!p0 $0x0  }
0xcf: {  	[sflag:s0] =	ssyncadd.s32 @!p0 $0xFFFFFC00  }
0xd0: {  	_ =	swait.ge @!p0 [sflag:s0], $0x400  }
0xd1: {  	[sflag:s0] =	ssyncset.done @!p0 $0x0  }
0xd2: {  	s1 =	simm.s32 @!p0 $0x1000;
	[sflag:s0] =	ssyncadd.s32 @!p0 $0xFFFFFC00;
	s0 =	simm.s32 @!p0 $0x80  }
0xd3: {  	[tilespmem:s1], [sflag:$0x3] =	stream.indirect.gather @!p0 [hbm4b:s5+s0], $0x80, s8, s0, $0xb8;
	[tilespmem:$0x1D000] =	vst v63  }
0xd4: {  	_ = 	snop  }
0xd5: {  	[spmem:s3] =	stream.indirect.scatter.add.f32 [tilespmem:s22], [sflag:$0x5], $0x80, s29, s19, $0xb8;
	[tilespmem:$0x1D000] =	vst v63  }
0xd6: {  	s31 =	simm.s32 $0x3;
	s12 =	smov.u32 s7;
	_ =	swait.ge [sflag:s15], $0x4000  }
0xd7: {  	s0 =	sadd.s32 $0x100, s13;
	s1 =	sadd.s32 $0x100, s14;
	[sflag:s15] =	ssyncset.done $0x0  }
.LBB2_2:
0xd8: {  	[sflag:s15] =	ssyncadd.s32 $0xFFFFC000  }
0xd9: {  	_ =	swait.ge [sflag:s21], $0x4000  }
0xda: {  	[sflag:s21] =	ssyncset.done $0x0  }
0xdb: {  	[sflag:s21] =	ssyncadd.s32 $0xFFFFC000  }
0xdc: {  	[tilespmem:s22], [sflag:$0x4] =	stream.indirect.gather [hbm4b:s5+s19], $0x80, s19, s19, $0xb8;
	[tilespmem:$0x1D000] =	vst v63  }
0xdd: {  	_ = 	snop  }
0xde: {  	[spmem:s3] =	stream.indirect.scatter.add.f32 [tilespmem:s20], [sflag:$0x5], $0x80, s16, s19, $0xb8;
	[tilespmem:$0x1D000] =	vst v63  }
0xdf: {  	_ =	swait.ge [sflag:s15], $0x4000  }
0xe0: {  	[sflag:s15] =	ssyncset.done $0x0  }
0xe1: {  	[sflag:s15] =	ssyncadd.s32 $0xFFFFC000  }
0xe2: {  	_ =	swait.ge [sflag:s23], $0x4000  }
0xe3: {  	[sflag:s23] =	ssyncset.done $0x0  }
0xe4: {  	s9 =	rddreg [dreg:$0x4];
	[sflag:s23] =	ssyncadd.s32 $0xFFFFC000  }
0xe5: {  	[tilespmem:s20], [sflag:$0x3] =	stream.indirect.gather [hbm4b:s5+s19], $0x80, s9, s19, $0xb8;
	[tilespmem:$0x1D000] =	vst v63  }
0xe6: {  	s10 =	rddreg [dreg:$0x5]  }
0xe7: {  	[spmem:s3] =	stream.indirect.scatter.add.f32 [tilespmem:s22], [sflag:$0x5], $0x80, s10, s19, $0xb8;
	[tilespmem:$0x1D000] =	vst v63  }
0xe8: {  	_ =	swait.ge [sflag:s15], $0x4000  }
0xe9: {  	[sflag:s15] =	ssyncset.done $0x0  }
0xea: {  	[sflag:s15] =	ssyncadd.s32 $0xFFFFC000  }
0xeb: {  	_ =	swait.ge [sflag:s21], $0x4000  }
0xec: {  	[sflag:s21] =	ssyncset.done $0x0  }
0xed: {  	s9 =	rddreg [dreg:$0x6];
	[sflag:s21] =	ssyncadd.s32 $0xFFFFC000  }
0xee: {  	[tilespmem:s22], [sflag:$0x4] =	stream.indirect.gather [hbm4b:s5+s19], $0x80, s9, s19, $0xb8;
	[tilespmem:$0x1D000] =	vst v63  }
0xef: {  	s10 =	rddreg [dreg:$0x7]  }
0xf0: {  	[spmem:s3] =	stream.indirect.scatter.add.f32 [tilespmem:s20], [sflag:$0x5], $0x80, s10, s19, $0xb8;
	[tilespmem:$0x1D000] =	vst v63  }
0xf1: {  	_ =	swait.ge [sflag:s15], $0x4000  }
0xf2: {  	[sflag:s15] =	ssyncset.done $0x0  }
0xf3: {  	[sflag:s15] =	ssyncadd.s32 $0xFFFFC000  }
0xf4: {  	[tilespmem:s24], [sflag:$0x2] =	stream.linear.gather [hbm4b:s1+s4], $0x400, $0x38;
	[tilespmem:$0x1D000] =	vst v63  }
0xf5: {  	_ = 	snop  }
0xf6: {  	[tilespmem:s25], [sflag:$0x2] =	stream.linear.gather [hbm4b:s0+s4], $0x400, $0x38;
	[tilespmem:$0x1D000] =	vst v63  }
0xf7: {  	_ =	swait.ge [sflag:s23], $0x4000  }
0xf8: {  	[sflag:s23] =	ssyncset.done $0x0  }
0xf9: {  	s9 =	rddreg [dreg:$0x8];
	[sflag:s23] =	ssyncadd.s32 $0xFFFFC000  }
0xfa: {  	[tilespmem:s20], [sflag:$0x3] =	stream.indirect.gather [hbm4b:s5+s19], $0x80, s9, s19, $0xb8;
	[tilespmem:$0x1D000] =	vst v63  }
0xfb: {  	s10 =	rddreg [dreg:$0x9]  }
0xfc: {  	[spmem:s3] =	stream.indirect.scatter.add.f32 [tilespmem:s22], [sflag:$0x5], $0x80, s10, s19, $0xb8;
	[tilespmem:$0x1D000] =	vst v63  }
0xfd: {  	_ =	swait.ge [sflag:s15], $0x4000  }
0xfe: {  	[sflag:s15] =	ssyncset.done $0x0  }
0xff: {  	[sflag:s15] =	ssyncadd.s32 $0xFFFFC000  }
0x100: {  	_ =	swait.ge [sflag:s21], $0x4000  }
0x101: {  	[sflag:s21] =	ssyncset.done $0x0  }
0x102: {  	s9 =	rddreg [dreg:$0xa];
	[sflag:s21] =	ssyncadd.s32 $0xFFFFC000  }
0x103: {  	[tilespmem:s22], [sflag:$0x4] =	stream.indirect.gather [hbm4b:s5+s19], $0x80, s9, s19, $0xb8;
	[tilespmem:$0x1D000] =	vst v63  }
0x104: {  	s10 =	rddreg [dreg:$0xb]  }
0x105: {  	[spmem:s3] =	stream.indirect.scatter.add.f32 [tilespmem:s20], [sflag:$0x5], $0x80, s10, s19, $0xb8;
	[tilespmem:$0x1D000] =	vst v63  }
0x106: {  	_ =	swait.ge [sflag:s15], $0x4000  }
0x107: {  	[sflag:s15] =	ssyncset.done $0x0  }
0x108: {  	[sflag:s15] =	ssyncadd.s32 $0xFFFFC000  }
0x109: {  	_ =	swait.ge [sflag:s23], $0x4000  }
0x10a: {  	[sflag:s23] =	ssyncset.done $0x0  }
0x10b: {  	s9 =	rddreg [dreg:$0xc];
	[sflag:s23] =	ssyncadd.s32 $0xFFFFC000  }
0x10c: {  	[tilespmem:s20], [sflag:$0x3] =	stream.indirect.gather [hbm4b:s5+s19], $0x80, s9, s19, $0xb8;
	[tilespmem:$0x1D000] =	vst v63  }
0x10d: {  	s10 =	rddreg [dreg:$0xd]  }
0x10e: {  	[spmem:s3] =	stream.indirect.scatter.add.f32 [tilespmem:s22], [sflag:$0x5], $0x80, s10, s19, $0xb8;
	[tilespmem:$0x1D000] =	vst v63  }
0x10f: {  	_ =	swait.ge [sflag:s15], $0x4000  }
0x110: {  	[sflag:s15] =	ssyncset.done $0x0  }
0x111: {  	[sflag:s15] =	ssyncadd.s32 $0xFFFFC000  }
0x112: {  	_ =	swait.ge [sflag:s21], $0x4000  }
0x113: {  	[sflag:s21] =	ssyncset.done $0x0  }
0x114: {  	s9 =	rddreg [dreg:$0xe];
	[sflag:s21] =	ssyncadd.s32 $0xFFFFC000  }
0x115: {  	[tilespmem:s22], [sflag:$0x4] =	stream.indirect.gather [hbm4b:s5+s19], $0x80, s9, s19, $0xb8;
	[tilespmem:$0x1D000] =	vst v63  }
0x116: {  	s10 =	rddreg [dreg:$0xf]  }
0x117: {  	[spmem:s3] =	stream.indirect.scatter.add.f32 [tilespmem:s20], [sflag:$0x5], $0x80, s10, s19, $0xb8;
	[tilespmem:$0x1D000] =	vst v63  }
0x118: {  	_ =	swait.ge [sflag:s15], $0x4000  }
0x119: {  	[sflag:s15] =	ssyncset.done $0x0  }
0x11a: {  	[sflag:s15] =	ssyncadd.s32 $0xFFFFC000  }
0x11b: {  	_ =	swait.ge [sflag:s23], $0x4000  }
0x11c: {  	[sflag:s23] =	ssyncset.done $0x0  }
0x11d: {  	[sflag:s23] =	ssyncadd.s32 $0xFFFFC000  }
0x11e: {  	_ =	swait.ge [sflag:s26], $0x400  }
0x11f: {  	[sflag:s26] =	ssyncset.done $0x0  }
0x120: {  	[sflag:s26] =	ssyncadd.s32 $0xFFFFFC00  }
0x121: {  	_ =	swait.ge [sflag:s26], $0x400  }
0x122: {  	[sflag:s26] =	ssyncset.done $0x0  }
0x123: {  	[sflag:s26] =	ssyncadd.s32 $0xFFFFFC00  }
0x124: {  	[tilespmem:s20], [sflag:$0x3] =	stream.indirect.gather [hbm4b:s5+s19], $0x80, s24, s19, $0xb8;
	[tilespmem:$0x1D000] =	vst v63  }
0x125: {  	s10 =	rddreg [dreg:$0x10]  }
0x126: {  	[spmem:s3] =	stream.indirect.scatter.add.f32 [tilespmem:s22], [sflag:$0x5], $0x80, s10, s19, $0xb8;
	[tilespmem:$0x1D000] =	vst v63  }
0x127: {  	_ =	swait.ge [sflag:s15], $0x4000  }
0x128: {  	[sflag:s15] =	ssyncset.done $0x0  }
0x129: {  	[sflag:s15] =	ssyncadd.s32 $0xFFFFC000  }
0x12a: {  	_ =	swait.ge [sflag:s21], $0x4000  }
0x12b: {  	[sflag:s21] =	ssyncset.done $0x0  }
0x12c: {  	s10 =	rddreg [dreg:$0x11];
	[sflag:s21] =	ssyncadd.s32 $0xFFFFC000  }
0x12d: {  	[tilespmem:s22], [sflag:$0x4] =	stream.indirect.gather [hbm4b:s5+s19], $0x80, s10, s19, $0xb8;
	[tilespmem:$0x1D000] =	vst v63  }
0x12e: {  	_ = 	snop  }
0x12f: {  	[spmem:s3] =	stream.indirect.scatter.add.f32 [tilespmem:s20], [sflag:$0x5], $0x80, s25, s19, $0xb8;
	[tilespmem:$0x1D000] =	vst v63  }
0x130: {  	_ =	swait.ge [sflag:s15], $0x4000  }
0x131: {  	[sflag:s15] =	ssyncset.done $0x0  }
0x132: {  	[sflag:s15] =	ssyncadd.s32 $0xFFFFC000  }
0x133: {  	_ =	swait.ge [sflag:s23], $0x4000  }
0x134: {  	[sflag:s23] =	ssyncset.done $0x0  }
0x135: {  	s9 =	rddreg [dreg:$0x12];
	[sflag:s23] =	ssyncadd.s32 $0xFFFFC000  }
0x136: {  	[tilespmem:s20], [sflag:$0x3] =	stream.indirect.gather [hbm4b:s5+s19], $0x80, s9, s19, $0xb8;
	[tilespmem:$0x1D000] =	vst v63  }
0x137: {  	s10 =	rddreg [dreg:$0x13]  }
0x138: {  	[spmem:s3] =	stream.indirect.scatter.add.f32 [tilespmem:s22], [sflag:$0x5], $0x80, s10, s19, $0xb8;
	[tilespmem:$0x1D000] =	vst v63  }
0x139: {  	_ =	swait.ge [sflag:s15], $0x4000  }
0x13a: {  	[sflag:s15] =	ssyncset.done $0x0  }
0x13b: {  	[sflag:s15] =	ssyncadd.s32 $0xFFFFC000  }
0x13c: {  	_ =	swait.ge [sflag:s21], $0x4000  }
0x13d: {  	[sflag:s21] =	ssyncset.done $0x0  }
0x13e: {  	s9 =	rddreg [dreg:$0x14];
	[sflag:s21] =	ssyncadd.s32 $0xFFFFC000  }
0x13f: {  	[tilespmem:s22], [sflag:$0x4] =	stream.indirect.gather [hbm4b:s5+s19], $0x80, s9, s19, $0xb8;
	[tilespmem:$0x1D000] =	vst v63  }
0x140: {  	s8 =	smov.u32 s31;
	s10 =	rddreg [dreg:$0x15]  }
0x141: {  	[spmem:s3] =	stream.indirect.scatter.add.f32 [tilespmem:s20], [sflag:$0x5], $0x80, s10, s19, $0xb8;
	[tilespmem:$0x1D000] =	vst v63  }
0x142: {  	s12 =	sadd.s32 $0x800, s12;
	p1 =	sgt.u32 s8, $0x8;
	_ =	swait.ge [sflag:s15], $0x4000  }
0x143: {  	s9 =	sshrl.u32 @!p1 s12, $0x3;
	[sflag:s15] =	ssyncset.done $0x0  }
0x144: {  	s8 =	simm.s32 @!p1 $0x0;
	s10 =	sadd.s32 @!p1 s6, s9;
	[sflag:s15] =	ssyncadd.s32 $0xFFFFC000  }
0x145: {  	[tilespmem:s8], [sflag:$0x1] =	stream.linear.gather @!p1 [hbm4b:s10+s8], $0x400, $0x38;
	[tilespmem:$0x1D000] =	vst v63  }
0x146: {  	s9 =	sadd.s32 @!p1 s2, s9;
	s10 =	simm.s32 @!p1 $0x800  }
0x147: {  	[tilespmem:s10], [sflag:$0x1] =	stream.linear.gather @!p1 [hbm4b:s9+s8], $0x400, $0x38;
	[tilespmem:$0x1D000] =	vst v63  }
0x148: {  	_ =	swait.ge [sflag:s23], $0x4000  }
0x149: {  	[sflag:s23] =	ssyncset.done $0x0  }
0x14a: {  	s9 =	rddreg [dreg:$0x16];
	[sflag:s23] =	ssyncadd.s32 $0xFFFFC000  }
0x14b: {  	[tilespmem:s20], [sflag:$0x3] =	stream.indirect.gather [hbm4b:s5+s19], $0x80, s9, s19, $0xb8;
	[tilespmem:$0x1D000] =	vst v63  }
0x14c: {  	s10 =	rddreg [dreg:$0x17]  }
0x14d: {  	[spmem:s3] =	stream.indirect.scatter.add.f32 [tilespmem:s22], [sflag:$0x5], $0x80, s10, s19, $0xb8;
	[tilespmem:$0x1D000] =	vst v63  }
0x14e: {  	_ =	swait.ge [sflag:s15], $0x4000  }
0x14f: {  	[sflag:s15] =	ssyncset.done $0x0  }
0x150: {  	[sflag:s15] =	ssyncadd.s32 $0xFFFFC000  }
0x151: {  	_ =	swait.ge [sflag:s21], $0x4000  }
0x152: {  	[sflag:s21] =	ssyncset.done $0x0  }
0x153: {  	s9 =	rddreg [dreg:$0x18];
	[sflag:s21] =	ssyncadd.s32 $0xFFFFC000  }
0x154: {  	[tilespmem:s22], [sflag:$0x4] =	stream.indirect.gather [hbm4b:s5+s19], $0x80, s9, s19, $0xb8;
	[tilespmem:$0x1D000] =	vst v63  }
0x155: {  	s10 =	rddreg [dreg:$0x19]  }
0x156: {  	[spmem:s3] =	stream.indirect.scatter.add.f32 [tilespmem:s20], [sflag:$0x5], $0x80, s10, s19, $0xb8;
	[tilespmem:$0x1D000] =	vst v63  }
0x157: {  	_ =	swait.ge [sflag:s15], $0x4000  }
0x158: {  	[sflag:s15] =	ssyncset.done $0x0  }
0x159: {  	[sflag:s15] =	ssyncadd.s32 $0xFFFFC000  }
0x15a: {  	_ =	swait.ge [sflag:s23], $0x4000  }
0x15b: {  	[sflag:s23] =	ssyncset.done $0x0  }
0x15c: {  	s9 =	rddreg [dreg:$0x1a];
	[sflag:s23] =	ssyncadd.s32 $0xFFFFC000  }
0x15d: {  	[tilespmem:s20], [sflag:$0x3] =	stream.indirect.gather [hbm4b:s5+s19], $0x80, s9, s19, $0xb8;
	[tilespmem:$0x1D000] =	vst v63  }
0x15e: {  	s10 =	rddreg [dreg:$0x1b]  }
0x15f: {  	[spmem:s3] =	stream.indirect.scatter.add.f32 [tilespmem:s22], [sflag:$0x5], $0x80, s10, s19, $0xb8;
	[tilespmem:$0x1D000] =	vst v63  }
0x160: {  	_ =	swait.ge [sflag:s15], $0x4000  }
0x161: {  	[sflag:s15] =	ssyncset.done $0x0  }
0x162: {  	[sflag:s15] =	ssyncadd.s32 $0xFFFFC000  }
0x163: {  	_ =	swait.ge [sflag:s21], $0x4000  }
0x164: {  	[sflag:s21] =	ssyncset.done $0x0  }
0x165: {  	s10 =	rddreg [dreg:$0x1c];
	[sflag:s21] =	ssyncadd.s32 $0xFFFFC000  }
0x166: {  	[tilespmem:s22], [sflag:$0x4] =	stream.indirect.gather [hbm4b:s5+s19], $0x80, s10, s19, $0xb8;
	[tilespmem:$0x1D000] =	vst v63  }
0x167: {  	_ = 	snop  }
0x168: {  	[spmem:s3] =	stream.indirect.scatter.add.f32 [tilespmem:s20], [sflag:$0x5], $0x80, s28, s19, $0xb8;
	[tilespmem:$0x1D000] =	vst v63  }
0x169: {  	_ =	swait.ge [sflag:s15], $0x4000  }
0x16a: {  	[sflag:s15] =	ssyncset.done $0x0  }
0x16b: {  	[sflag:s15] =	ssyncadd.s32 $0xFFFFC000  }
0x16c: {  	_ =	swait.ge [sflag:s23], $0x4000  }
0x16d: {  	[sflag:s23] =	ssyncset.done $0x0  }
0x16e: {  	s9 =	simm.s32 @!p1 $0x1;
	[sflag:s23] =	ssyncadd.s32 $0xFFFFC000  }
0x16f: {  	_ =	swait.ge @!p1 [sflag:s9], $0x400  }
0x170: {  	[sflag:s9] =	ssyncset.done @!p1 $0x0  }
0x171: {  	[sflag:s9] =	ssyncadd.s32 @!p1 $0xFFFFFC00  }
0x172: {  	s31 =	sadd.s32 $0x2, s31;
	_ =	swait.ge @!p1 [sflag:s9], $0x400  }
0x173: {  	p0 =	sne.s32 s31, $0xB;
	[sflag:s9] =	ssyncset.done @!p1 $0x0  }
0x174: {  	s10 =	simm.s32 @!p1 $0x1000;
	[sflag:s9] =	ssyncadd.s32 @!p1 $0xFFFFFC00;
	s9 =	simm.s32 @!p1 $0x80  }
0x175: {  	[tilespmem:s10], [sflag:$0x3] =	stream.indirect.gather @!p1 [hbm4b:s5+s9], $0x80, s8, s9, $0xb8;
	[tilespmem:$0x1D000] =	vst v63  }
.Ltmp0:
0x176: {  	_ = 	snop;
	(pc) =	sbr.rel @p0 .LBB2_2-.Ltmp0, $4  }
0x177: {  	_ = 	snop  }
0x178: {  	[spmem:s3] =	stream.indirect.scatter.add.f32 [tilespmem:s22], [sflag:$0x5], $0x80, s29, s19, $0xb8;
	[tilespmem:$0x1D000] =	vst v63  }
0x179: {  	_ =	swait.ge [sflag:s15], $0x4000  }
0x17a: {  	s1 =	sadd.s32 $0x100, s1;
	s0 =	sadd.s32 $0x100, s0;
	[sflag:s15] =	ssyncset.done $0x0  }
0x17b: {  	[sflag:s15] =	ssyncadd.s32 $0xFFFFC000  }
0x17c: {  	[bflag:$0x0] =	sbarrier.arrive $0xFFFF  }
0x17d: {  	s30 =	sadd.s32 $0x1, s30;
	s0 =	sld [smem:$0x7FD]  }
0x17e: {  	p0 =	sne.s32 s30, s11  }
.Ltmp1:
0x17f: {  	_ = 	snop;
	(pc) =	sbr.rel @p0 .LBB2_1-.Ltmp1, $4  }
0x180: {  	[hbm:s0], [sflag:s17] =	dma.local [spmem:s18], $0x2800  }
0x181: {  	_ =	swait.ge [sflag:s15], $0x2800  }
0x182: {  	[sflag:s15] =	ssyncset.done $0x0  }
0x183: {  	[sflag:s15] =	ssyncadd.s32 $0xFFFFD800  }
0x184: {  	_ =	sfence.sel $0x180000  }
0x185: {  	[bflag:$0x0] =	sbarrier.arrive $0xFFFF  }
0x186: {  	_ =	strace $0x9000004A  }
0x187: {  	s0 =	stileid.u32;
	[bflag:$0x2] =	sbarrier.arrive $0xFFFF  }
0x188: {  	p0 =	sne.s32 s0, $0x0;
	s0 =	rddreg [dreg:$0x3]  }
0x189: {  	s0 =	sadd.s32 @!p0 $0x100000, s0  }
0x18a: {  	[sflag:s0] =	ssyncadd.tile.s32 @!p0 $0x1;
	_ =	shalt  }
.Lfunc_end2:
_tile_overlayer_lowered:
.L_overlay_start_2:
0x18b: {  	(tag) =	ssettag $0x2  }
0x18c: {  	s0 =	rddreg [dreg:$0x0];
	s2 =	stileid.u32  }
0x18d: {  	s1 =	rddreg [dreg:$0x1];
	p0 =	sne.s32 s2, $0x0  }
0x18e: {  	s3 =	rddreg [dreg:$0x2];
	[bflag:$0x3] =	sbarrier.arrive $0xFFFF;
	s2 =	simm.s32 @!p0 $0x1C05  }
0x18f: {  	[timem:s3], [sflag:s2] =	dma.local @!p0 [hbm:s0], s1  }
0x190: {  	s0 =	simm.s32 @!p0 $0x5  }
0x191: {  	_ =	swait.ge @!p0 [sflag:s0], s1  }
0x192: {  	s1 =	ssub.s32 @!p0 $0x0, s1;
	[sflag:s0] =	ssyncset.done @!p0 $0x0  }
0x193: {  	[sflag:s0] =	ssyncadd.s32 @!p0 s1  }
0x194: {  	[bflag:$0x3] =	sbarrier.arrive $0xFFFF  }
0x195: {  	_ =	shalt  }

</sc_bundles>
